<compile_context>
chip_gen: v7x
topology: tpu7x:2x2x1
jax: 0.10.2.dev20260603
libtpu: 0.0.44.dev20260713+nightly
codegen_flags: <defaults>
</compile_context>

<pallas_src>
import functools

import jax
import jax.numpy as jnp
from jax import lax
from jax.experimental import pallas as pl
from jax.experimental.pallas import tpu as pltpu
from jax.experimental.pallas import tpu_sc as plsc

BATCH = 16384
HIST = 50
EMBED_DIM = 64
VOCAB = 1000000
NB = BATCH * HIST
NW = 32
B_PER_W = NB // NW
CHUNK = 400
NBUF = 4
N_CHUNKS = B_PER_W // CHUNK
GROUPS = N_CHUNKS // NBUF


def _make_kernel():
  mesh = plsc.VectorSubcoreMesh(core_axis_name="c", subcore_axis_name="s")

  @functools.partial(
      pl.kernel,
      out_type=jax.ShapeDtypeStruct((NB, EMBED_DIM), jnp.float32),
      name="embed_gather",
      mesh=mesh,
      scratch_types=[
          pltpu.VMEM((CHUNK,), jnp.int32),
          pltpu.VMEM((CHUNK,), jnp.int32),
          pltpu.VMEM((CHUNK,), jnp.int32),
          pltpu.VMEM((CHUNK,), jnp.int32),
          pltpu.VMEM((NBUF, CHUNK, EMBED_DIM), jnp.float32),
          pltpu.SemaphoreType.DMA((NBUF,)),
          pltpu.SemaphoreType.DMA((NBUF,)),
          pltpu.SemaphoreType.DMA((NBUF,)),
      ],
      compiler_params=pltpu.CompilerParams(use_tc_tiling_on_sc=False),
  )
  def gather_kernel(idx_hbm, table_hbm, out_hbm, idx0, idx1, idx2, idx3,
                    rows_v, idx_sem, gat_sem, st_sem):
    idx_v = [idx0, idx1, idx2, idx3]
    wid = lax.axis_index("s") * 2 + lax.axis_index("c")
    w_base = wid * B_PER_W

    def issue_idx(ci, b):
      pltpu.async_copy(
          idx_hbm.at[pl.ds(w_base + ci * CHUNK, CHUNK)], idx_v[b],
          idx_sem.at[b])

    def wait_idx(ci, b):
      pltpu.make_async_copy(
          idx_hbm.at[pl.ds(w_base + ci * CHUNK, CHUNK)], idx_v[b],
          idx_sem.at[b]).wait()

    def issue_gather(b):
      pltpu.async_copy(table_hbm.at[idx_v[b]], rows_v.at[b], gat_sem.at[b])

    def wait_gather(b):
      pltpu.make_async_copy(
          table_hbm.at[idx_v[b]], rows_v.at[b], gat_sem.at[b]).wait()

    def issue_store(ci, b):
      pltpu.async_copy(
          rows_v.at[b], out_hbm.at[pl.ds(w_base + ci * CHUNK, CHUNK)],
          st_sem.at[b])

    def wait_store(ci, b):
      pltpu.make_async_copy(
          rows_v.at[b], out_hbm.at[pl.ds(w_base + ci * CHUNK, CHUNK)],
          st_sem.at[b]).wait()

    for b in range(NBUF):
      issue_idx(b, b)
    wait_idx(0, 0)
    issue_gather(0)
    wait_idx(1, 1)
    issue_gather(1)
    for b in range(NBUF):
      wait_gather(b)
      issue_store(b, b)
      issue_idx(b + NBUF, b)
      bj = (b + 2) % NBUF
      if b >= 2:
        wait_store(b - 2, bj)
      wait_idx(b + 2, bj)
      issue_gather(bj)

    def body(g, carry):
      for b in range(NBUF):
        ci = g * NBUF + b
        wait_gather(b)
        issue_store(ci, b)
        issue_idx(ci + NBUF, b)
        bj = (b + 2) % NBUF
        wait_store(ci - 2, bj)
        wait_idx(ci + 2, bj)
        issue_gather(bj)
      return carry

    lax.fori_loop(1, GROUPS - 1, body, 0)

    for b in range(NBUF):
      ci = (GROUPS - 1) * NBUF + b
      wait_gather(b)
      issue_store(ci, b)
      bj = (b + 2) % NBUF
      wait_store(ci - 2, bj)
      if ci + 2 < N_CHUNKS:
        wait_idx(ci + 2, bj)
        issue_gather(bj)
    wait_store(N_CHUNKS - 2, (N_CHUNKS - 2) % NBUF)
    wait_store(N_CHUNKS - 1, (N_CHUNKS - 1) % NBUF)

  return gather_kernel


_gather = _make_kernel()


@jax.jit
def kernel(inputs, table):
  tbl = jnp.pad(table, ((0, 0), (0, 128 - EMBED_DIM)))
  tbl_v = tbl.reshape(2 * VOCAB, EMBED_DIM)
  flat_idx = inputs.reshape(NB).astype(jnp.int32) * 2
  out = _gather(flat_idx, tbl_v)
  return out.reshape(BATCH, HIST, EMBED_DIM)

# --- scband reference (transcript-rebuilt; emitter-appended) ---
"""Pipeline reference for scband-word2-vec-model-54477365182623 (READ-ONLY COPY).

The authoritative reference and input builder live on the scoring server;
editing this copy changes nothing except your own understanding.
"""

import jax, jax.numpy as jnp
import numpy as np

VOCAB = 1000000
EMBED_DIM = 64
BATCH = 16384
HIST = 50


def setup_inputs(seed: int = 0) -> dict:
    key = jax.random.key(seed)
    k_idx, k_tab = jax.random.split(key)
    inputs = jax.random.randint(k_idx, (BATCH, HIST), 0, VOCAB, dtype=jnp.int64) if jax.config.jax_enable_x64 else jax.random.randint(k_idx, (BATCH, HIST), 0, VOCAB, dtype=jnp.int32)
    table = jax.random.normal(k_tab, (VOCAB, EMBED_DIM), dtype=jnp.float32) * 0.02
    return {"inputs": inputs, "table": table}


def reference(inputs, table):
    # Word2VecModel.forward: self.embeddings(inputs) -> gather rows of the table
    return jnp.take(table, inputs, axis=0)

if __name__ == "__main__":
    import jax
    _d = setup_inputs()
    print(jax.jit(kernel)(*tuple(_d.values())))

</pallas_src>

<mosaic_0001>
#map = affine_map<(d0, d1) -> (0)>
#map1 = affine_map<(d0, d1) -> (0, 0)>
module attributes {stable_mosaic.version = 14 : i64} {
  func.func @embed_gather(%arg0: i32, %arg1: i32, %arg2: memref<819200xi32, #tpu.memory_space<hbm>>, %arg3: memref<2000000x64xf32, #tpu.memory_space<hbm>>, %arg4: memref<819200x64xf32, #tpu.memory_space<hbm>>, %arg5: memref<400xi32, #tpu.memory_space<vmem>>, %arg6: memref<400xi32, #tpu.memory_space<vmem>>, %arg7: memref<400xi32, #tpu.memory_space<vmem>>, %arg8: memref<400xi32, #tpu.memory_space<vmem>>, %arg9: memref<4x400x64xf32, #tpu.memory_space<vmem>>, %arg10: memref<4x!tpu.dma_semaphore, #tpu.memory_space<semaphore_mem>>, %arg11: memref<4x!tpu.dma_semaphore, #tpu.memory_space<semaphore_mem>>, %arg12: memref<4x!tpu.dma_semaphore, #tpu.memory_space<semaphore_mem>>) attributes {dimension_semantics = [#tpu.dimension_semantics<core_parallel>, #tpu.dimension_semantics<subcore_parallel>], iteration_bounds = array<i64: 2, 16>, scalar_prefetch = 0 : i64, scratch_operands = 8 : i64, tpu.core_type = #tpu.core_type<sc_vector_subcore>, window_params = [{transform_indices = #map}, {transform_indices = #map1}, {transform_indices = #map1}]} {
    %mul3A = arith.constant 2 : i32
    %mul3A_0 = arith.muli %arg1, %mul3A : i32
    %add3A = arith.addi %mul3A_0, %arg0 : i32
    %mul3A_1 = arith.constant 25600 : i32
    %mul3A_2 = arith.muli %add3A, %mul3A_1 : i32
    %add3A_3 = arith.constant 0 : i32
    %add3A_4 = arith.addi %mul3A_2, %add3A_3 : i32
    %dma_start3A = arith.constant 0 : i32
    %dma_start3A_5 = tpu.memref_slice %arg2[%add3A_4] : memref<819200xi32, #tpu.memory_space<hbm>> -> memref<400xi32, #tpu.memory_space<hbm>>
    %dma_start3A_6 = tpu.memref_slice %arg10[%dma_start3A] : memref<4x!tpu.dma_semaphore, #tpu.memory_space<semaphore_mem>> -> memref<1x!tpu.dma_semaphore, #tpu.memory_space<semaphore_mem>>
    %dma_start3A_7 = tpu.memref_squeeze %dma_start3A_6 : memref<1x!tpu.dma_semaphore, #tpu.memory_space<semaphore_mem>> -> memref<!tpu.dma_semaphore, #tpu.memory_space<semaphore_mem>>
    %dma_start3A_8 = tpu.memref_slice %arg2[%add3A_4] : memref<819200xi32, #tpu.memory_space<hbm>> -> memref<400xi32, #tpu.memory_space<hbm>>
    tpu.enqueue_dma source(%dma_start3A_8 : memref<400xi32, #tpu.memory_space<hbm>>) target(%arg5 : memref<400xi32, #tpu.memory_space<vmem>>) target_semaphore(%dma_start3A_7 : memref<!tpu.dma_semaphore, #tpu.memory_space<semaphore_mem>>)
    %add3A_9 = arith.constant 400 : i32
    %add3A_10 = arith.addi %mul3A_2, %add3A_9 : i32
    %dma_start3A_11 = arith.constant 1 : i32
    %dma_start3A_12 = tpu.memref_slice %arg2[%add3A_10] : memref<819200xi32, #tpu.memory_space<hbm>> -> memref<400xi32, #tpu.memory_space<hbm>>
    %dma_start3A_13 = tpu.memref_slice %arg10[%dma_start3A_11] : memref<4x!tpu.dma_semaphore, #tpu.memory_space<semaphore_mem>> -> memref<1x!tpu.dma_semaphore, #tpu.memory_space<semaphore_mem>>
    %dma_start3A_14 = tpu.memref_squeeze %dma_start3A_13 : memref<1x!tpu.dma_semaphore, #tpu.memory_space<semaphore_mem>> -> memref<!tpu.dma_semaphore, #tpu.memory_space<semaphore_mem>>
    %dma_start3A_15 = tpu.memref_slice %arg2[%add3A_10] : memref<819200xi32, #tpu.memory_space<hbm>> -> memref<400xi32, #tpu.memory_space<hbm>>
    tpu.enqueue_dma source(%dma_start3A_15 : memref<400xi32, #tpu.memory_space<hbm>>) target(%arg6 : memref<400xi32, #tpu.memory_space<vmem>>) target_semaphore(%dma_start3A_14 : memref<!tpu.dma_semaphore, #tpu.memory_space<semaphore_mem>>)
    %add3A_16 = arith.constant 800 : i32
    %add3A_17 = arith.addi %mul3A_2, %add3A_16 : i32
    %dma_start3A_18 = arith.constant 2 : i32
    %dma_start3A_19 = tpu.memref_slice %arg2[%add3A_17] : memref<819200xi32, #tpu.memory_space<hbm>> -> memref<400xi32, #tpu.memory_space<hbm>>
    %dma_start3A_20 = tpu.memref_slice %arg10[%dma_start3A_18] : memref<4x!tpu.dma_semaphore, #tpu.memory_space<semaphore_mem>> -> memref<1x!tpu.dma_semaphore, #tpu.memory_space<semaphore_mem>>
    %dma_start3A_21 = tpu.memref_squeeze %dma_start3A_20 : memref<1x!tpu.dma_semaphore, #tpu.memory_space<semaphore_mem>> -> memref<!tpu.dma_semaphore, #tpu.memory_space<semaphore_mem>>
    %dma_start3A_22 = tpu.memref_slice %arg2[%add3A_17] : memref<819200xi32, #tpu.memory_space<hbm>> -> memref<400xi32, #tpu.memory_space<hbm>>
    tpu.enqueue_dma source(%dma_start3A_22 : memref<400xi32, #tpu.memory_space<hbm>>) target(%arg7 : memref<400xi32, #tpu.memory_space<vmem>>) target_semaphore(%dma_start3A_21 : memref<!tpu.dma_semaphore, #tpu.memory_space<semaphore_mem>>)
    %add3A_23 = arith.constant 1200 : i32
    %add3A_24 = arith.addi %mul3A_2, %add3A_23 : i32
    %dma_start3A_25 = arith.constant 3 : i32
    %dma_start3A_26 = tpu.memref_slice %arg2[%add3A_24] : memref<819200xi32, #tpu.memory_space<hbm>> -> memref<400xi32, #tpu.memory_space<hbm>>
    %dma_start3A_27 = tpu.memref_slice %arg10[%dma_start3A_25] : memref<4x!tpu.dma_semaphore, #tpu.memory_space<semaphore_mem>> -> memref<1x!tpu.dma_semaphore, #tpu.memory_space<semaphore_mem>>
    %dma_start3A_28 = tpu.memref_squeeze %dma_start3A_27 : memref<1x!tpu.dma_semaphore, #tpu.memory_space<semaphore_mem>> -> memref<!tpu.dma_semaphore, #tpu.memory_space<semaphore_mem>>
    %dma_start3A_29 = tpu.memref_slice %arg2[%add3A_24] : memref<819200xi32, #tpu.memory_space<hbm>> -> memref<400xi32, #tpu.memory_space<hbm>>
    tpu.enqueue_dma source(%dma_start3A_29 : memref<400xi32, #tpu.memory_space<hbm>>) target(%arg8 : memref<400xi32, #tpu.memory_space<vmem>>) target_semaphore(%dma_start3A_28 : memref<!tpu.dma_semaphore, #tpu.memory_space<semaphore_mem>>)
    %add3A_30 = arith.constant 0 : i32
    %add3A_31 = arith.addi %mul3A_2, %add3A_30 : i32
    %dma_wait3A = arith.constant 0 : i32
    %dma_wait3A_32 = tpu.memref_slice %arg2[%add3A_31] : memref<819200xi32, #tpu.memory_space<hbm>> -> memref<400xi32, #tpu.memory_space<hbm>>
    %dma_wait3A_33 = tpu.memref_slice %arg10[%dma_wait3A] : memref<4x!tpu.dma_semaphore, #tpu.memory_space<semaphore_mem>> -> memref<1x!tpu.dma_semaphore, #tpu.memory_space<semaphore_mem>>
    %dma_wait3A_34 = tpu.memref_squeeze %dma_wait3A_33 : memref<1x!tpu.dma_semaphore, #tpu.memory_space<semaphore_mem>> -> memref<!tpu.dma_semaphore, #tpu.memory_space<semaphore_mem>>
    %dma_wait3A_35 = tpu.memref_slice %arg2[%add3A_31] : memref<819200xi32, #tpu.memory_space<hbm>> -> memref<400xi32, #tpu.memory_space<hbm>>
    tpu.wait_dma2 semaphore(%dma_wait3A_34 : memref<!tpu.dma_semaphore, #tpu.memory_space<semaphore_mem>>) src(%dma_wait3A_35 : memref<400xi32, #tpu.memory_space<hbm>>) dst(%arg5 : memref<400xi32, #tpu.memory_space<vmem>>)
    %dma_start3A_36 = arith.constant 0 : i32
    %dma_start3A_37 = arith.constant 0 : i32
    %dma_start3A_38 = arith.constant 0 : i32
    %dma_start3A_39 = arith.constant 0 : i32
    %dma_start3A_40 = tpu.memref_slice %arg9[%dma_start3A_36, %dma_start3A_38, %dma_start3A_39] : memref<4x400x64xf32, #tpu.memory_space<vmem>> -> memref<1x400x64xf32, #tpu.memory_space<vmem>>
    %dma_start3A_41 = tpu.memref_squeeze %dma_start3A_40 : memref<1x400x64xf32, #tpu.memory_space<vmem>> -> memref<400x64xf32, #tpu.memory_space<vmem>>
    %dma_start3A_42 = arith.constant 0 : i32
    %dma_start3A_43 = arith.constant 0 : i32
    %dma_start3A_44 = tpu.memref_slice %arg3[%dma_start3A_42, %dma_start3A_43] : memref<2000000x64xf32, #tpu.memory_space<hbm>> -> memref<2000000x64xf32, #tpu.memory_space<hbm>>
    %dma_start3A_45 = tpu.memref_slice %arg11[%dma_start3A_37] : memref<4x!tpu.dma_semaphore, #tpu.memory_space<semaphore_mem>> -> memref<1x!tpu.dma_semaphore, #tpu.memory_space<semaphore_mem>>
    %dma_start3A_46 = tpu.memref_squeeze %dma_start3A_45 : memref<1x!tpu.dma_semaphore, #tpu.memory_space<semaphore_mem>> -> memref<!tpu.dma_semaphore, #tpu.memory_space<semaphore_mem>>
    tpu.enqueue_indirect_dma source(%dma_start3A_44 : memref<2000000x64xf32, #tpu.memory_space<hbm>>) target(%dma_start3A_41 : memref<400x64xf32, #tpu.memory_space<vmem>>) offsets(%arg5 : memref<400xi32, #tpu.memory_space<vmem>>) semaphore(%dma_start3A_46 : memref<!tpu.dma_semaphore, #tpu.memory_space<semaphore_mem>>)
    %add3A_47 = arith.constant 400 : i32
    %add3A_48 = arith.addi %mul3A_2, %add3A_47 : i32
    %dma_wait3A_49 = arith.constant 1 : i32
    %dma_wait3A_50 = tpu.memref_slice %arg2[%add3A_48] : memref<819200xi32, #tpu.memory_space<hbm>> -> memref<400xi32, #tpu.memory_space<hbm>>
    %dma_wait3A_51 = tpu.memref_slice %arg10[%dma_wait3A_49] : memref<4x!tpu.dma_semaphore, #tpu.memory_space<semaphore_mem>> -> memref<1x!tpu.dma_semaphore, #tpu.memory_space<semaphore_mem>>
    %dma_wait3A_52 = tpu.memref_squeeze %dma_wait3A_51 : memref<1x!tpu.dma_semaphore, #tpu.memory_space<semaphore_mem>> -> memref<!tpu.dma_semaphore, #tpu.memory_space<semaphore_mem>>
    %dma_wait3A_53 = tpu.memref_slice %arg2[%add3A_48] : memref<819200xi32, #tpu.memory_space<hbm>> -> memref<400xi32, #tpu.memory_space<hbm>>
    tpu.wait_dma2 semaphore(%dma_wait3A_52 : memref<!tpu.dma_semaphore, #tpu.memory_space<semaphore_mem>>) src(%dma_wait3A_53 : memref<400xi32, #tpu.memory_space<hbm>>) dst(%arg6 : memref<400xi32, #tpu.memory_space<vmem>>)
    %dma_start3A_54 = arith.constant 1 : i32
    %dma_start3A_55 = arith.constant 1 : i32
    %dma_start3A_56 = arith.constant 0 : i32
    %dma_start3A_57 = arith.constant 0 : i32
    %dma_start3A_58 = tpu.memref_slice %arg9[%dma_start3A_54, %dma_start3A_56, %dma_start3A_57] : memref<4x400x64xf32, #tpu.memory_space<vmem>> -> memref<1x400x64xf32, #tpu.memory_space<vmem>>
    %dma_start3A_59 = tpu.memref_squeeze %dma_start3A_58 : memref<1x400x64xf32, #tpu.memory_space<vmem>> -> memref<400x64xf32, #tpu.memory_space<vmem>>
    %dma_start3A_60 = arith.constant 0 : i32
    %dma_start3A_61 = arith.constant 0 : i32
    %dma_start3A_62 = tpu.memref_slice %arg3[%dma_start3A_60, %dma_start3A_61] : memref<2000000x64xf32, #tpu.memory_space<hbm>> -> memref<2000000x64xf32, #tpu.memory_space<hbm>>
    %dma_start3A_63 = tpu.memref_slice %arg11[%dma_start3A_55] : memref<4x!tpu.dma_semaphore, #tpu.memory_space<semaphore_mem>> -> memref<1x!tpu.dma_semaphore, #tpu.memory_space<semaphore_mem>>
    %dma_start3A_64 = tpu.memref_squeeze %dma_start3A_63 : memref<1x!tpu.dma_semaphore, #tpu.memory_space<semaphore_mem>> -> memref<!tpu.dma_semaphore, #tpu.memory_space<semaphore_mem>>
    tpu.enqueue_indirect_dma source(%dma_start3A_62 : memref<2000000x64xf32, #tpu.memory_space<hbm>>) target(%dma_start3A_59 : memref<400x64xf32, #tpu.memory_space<vmem>>) offsets(%arg6 : memref<400xi32, #tpu.memory_space<vmem>>) semaphore(%dma_start3A_64 : memref<!tpu.dma_semaphore, #tpu.memory_space<semaphore_mem>>)
    %dma_wait3A_65 = arith.constant 0 : i32
    %dma_wait3A_66 = arith.constant 0 : i32
    %dma_wait3A_67 = arith.constant 0 : i32
    %dma_wait3A_68 = arith.constant 0 : i32
    %dma_wait3A_69 = tpu.memref_slice %arg9[%dma_wait3A_65, %dma_wait3A_67, %dma_wait3A_68] : memref<4x400x64xf32, #tpu.memory_space<vmem>> -> memref<1x400x64xf32, #tpu.memory_space<vmem>>
    %dma_wait3A_70 = tpu.memref_squeeze %dma_wait3A_69 : memref<1x400x64xf32, #tpu.memory_space<vmem>> -> memref<400x64xf32, #tpu.memory_space<vmem>>
    %dma_wait3A_71 = arith.constant 0 : i32
    %dma_wait3A_72 = arith.constant 0 : i32
    %dma_wait3A_73 = tpu.memref_slice %arg3[%dma_wait3A_71, %dma_wait3A_72] : memref<2000000x64xf32, #tpu.memory_space<hbm>> -> memref<2000000x64xf32, #tpu.memory_space<hbm>>
    %dma_wait3A_74 = tpu.memref_slice %arg11[%dma_wait3A_66] : memref<4x!tpu.dma_semaphore, #tpu.memory_space<semaphore_mem>> -> memref<1x!tpu.dma_semaphore, #tpu.memory_space<semaphore_mem>>
    %dma_wait3A_75 = tpu.memref_squeeze %dma_wait3A_74 : memref<1x!tpu.dma_semaphore, #tpu.memory_space<semaphore_mem>> -> memref<!tpu.dma_semaphore, #tpu.memory_space<semaphore_mem>>
    tpu.wait_indirect_dma semaphore(%dma_wait3A_75 : memref<!tpu.dma_semaphore, #tpu.memory_space<semaphore_mem>>) src(%dma_wait3A_73 : memref<2000000x64xf32, #tpu.memory_space<hbm>>) dst(%dma_wait3A_70 : memref<400x64xf32, #tpu.memory_space<vmem>>)
    %add3A_76 = arith.constant 0 : i32
    %add3A_77 = arith.addi %mul3A_2, %add3A_76 : i32
    %dma_start3A_78 = arith.constant 0 : i32
    %dma_start3A_79 = arith.constant 0 : i32
    %dma_start3A_80 = arith.constant 0 : i32
    %dma_start3A_81 = arith.constant 0 : i32
    %dma_start3A_82 = tpu.memref_slice %arg9[%dma_start3A_78, %dma_start3A_80, %dma_start3A_81] : memref<4x400x64xf32, #tpu.memory_space<vmem>> -> memref<1x400x64xf32, #tpu.memory_space<vmem>>
    %dma_start3A_83 = tpu.memref_squeeze %dma_start3A_82 : memref<1x400x64xf32, #tpu.memory_space<vmem>> -> memref<400x64xf32, #tpu.memory_space<vmem>>
    %dma_start3A_84 = arith.constant 0 : i32
    %dma_start3A_85 = tpu.memref_slice %arg4[%add3A_77, %dma_start3A_84] : memref<819200x64xf32, #tpu.memory_space<hbm>> -> memref<400x64xf32, #tpu.memory_space<hbm>>
    %dma_start3A_86 = tpu.memref_slice %arg12[%dma_start3A_79] : memref<4x!tpu.dma_semaphore, #tpu.memory_space<semaphore_mem>> -> memref<1x!tpu.dma_semaphore, #tpu.memory_space<semaphore_mem>>
    %dma_start3A_87 = tpu.memref_squeeze %dma_start3A_86 : memref<1x!tpu.dma_semaphore, #tpu.memory_space<semaphore_mem>> -> memref<!tpu.dma_semaphore, #tpu.memory_space<semaphore_mem>>
    %dma_start3A_88 = arith.constant 0 : i32
    %dma_start3A_89 = tpu.memref_slice %arg4[%add3A_77, %dma_start3A_88] : memref<819200x64xf32, #tpu.memory_space<hbm>> -> memref<400x64xf32, #tpu.memory_space<hbm>>
    %dma_start3A_90 = arith.constant 0 : i32
    %dma_start3A_91 = arith.constant 0 : i32
    %dma_start3A_92 = tpu.memref_slice %arg9[%dma_start3A_78, %dma_start3A_90, %dma_start3A_91] : memref<4x400x64xf32, #tpu.memory_space<vmem>> -> memref<1x400x64xf32, #tpu.memory_space<vmem>>
    %dma_start3A_93 = tpu.memref_squeeze %dma_start3A_92 : memref<1x400x64xf32, #tpu.memory_space<vmem>> -> memref<400x64xf32, #tpu.memory_space<vmem>>
    tpu.enqueue_dma source(%dma_start3A_93 : memref<400x64xf32, #tpu.memory_space<vmem>>) target(%dma_start3A_89 : memref<400x64xf32, #tpu.memory_space<hbm>>) target_semaphore(%dma_start3A_87 : memref<!tpu.dma_semaphore, #tpu.memory_space<semaphore_mem>>)
    %add3A_94 = arith.constant 1600 : i32
    %add3A_95 = arith.addi %mul3A_2, %add3A_94 : i32
    %dma_start3A_96 = arith.constant 0 : i32
    %dma_start3A_97 = tpu.memref_slice %arg2[%add3A_95] : memref<819200xi32, #tpu.memory_space<hbm>> -> memref<400xi32, #tpu.memory_space<hbm>>
    %dma_start3A_98 = tpu.memref_slice %arg10[%dma_start3A_96] : memref<4x!tpu.dma_semaphore, #tpu.memory_space<semaphore_mem>> -> memref<1x!tpu.dma_semaphore, #tpu.memory_space<semaphore_mem>>
    %dma_start3A_99 = tpu.memref_squeeze %dma_start3A_98 : memref<1x!tpu.dma_semaphore, #tpu.memory_space<semaphore_mem>> -> memref<!tpu.dma_semaphore, #tpu.memory_space<semaphore_mem>>
    %dma_start3A_100 = tpu.memref_slice %arg2[%add3A_95] : memref<819200xi32, #tpu.memory_space<hbm>> -> memref<400xi32, #tpu.memory_space<hbm>>
    tpu.enqueue_dma source(%dma_start3A_100 : memref<400xi32, #tpu.memory_space<hbm>>) target(%arg5 : memref<400xi32, #tpu.memory_space<vmem>>) target_semaphore(%dma_start3A_99 : memref<!tpu.dma_semaphore, #tpu.memory_space<semaphore_mem>>)
    %add3A_101 = arith.constant 800 : i32
    %add3A_102 = arith.addi %mul3A_2, %add3A_101 : i32
    %dma_wait3A_103 = arith.constant 2 : i32
    %dma_wait3A_104 = tpu.memref_slice %arg2[%add3A_102] : memref<819200xi32, #tpu.memory_space<hbm>> -> memref<400xi32, #tpu.memory_space<hbm>>
    %dma_wait3A_105 = tpu.memref_slice %arg10[%dma_wait3A_103] : memref<4x!tpu.dma_semaphore, #tpu.memory_space<semaphore_mem>> -> memref<1x!tpu.dma_semaphore, #tpu.memory_space<semaphore_mem>>
    %dma_wait3A_106 = tpu.memref_squeeze %dma_wait3A_105 : memref<1x!tpu.dma_semaphore, #tpu.memory_space<semaphore_mem>> -> memref<!tpu.dma_semaphore, #tpu.memory_space<semaphore_mem>>
    %dma_wait3A_107 = tpu.memref_slice %arg2[%add3A_102] : memref<819200xi32, #tpu.memory_space<hbm>> -> memref<400xi32, #tpu.memory_space<hbm>>
    tpu.wait_dma2 semaphore(%dma_wait3A_106 : memref<!tpu.dma_semaphore, #tpu.memory_space<semaphore_mem>>) src(%dma_wait3A_107 : memref<400xi32, #tpu.memory_space<hbm>>) dst(%arg7 : memref<400xi32, #tpu.memory_space<vmem>>)
    %dma_start3A_108 = arith.constant 2 : i32
    %dma_start3A_109 = arith.constant 2 : i32
    %dma_start3A_110 = arith.constant 0 : i32
    %dma_start3A_111 = arith.constant 0 : i32
    %dma_start3A_112 = tpu.memref_slice %arg9[%dma_start3A_108, %dma_start3A_110, %dma_start3A_111] : memref<4x400x64xf32, #tpu.memory_space<vmem>> -> memref<1x400x64xf32, #tpu.memory_space<vmem>>
    %dma_start3A_113 = tpu.memref_squeeze %dma_start3A_112 : memref<1x400x64xf32, #tpu.memory_space<vmem>> -> memref<400x64xf32, #tpu.memory_space<vmem>>
    %dma_start3A_114 = arith.constant 0 : i32
    %dma_start3A_115 = arith.constant 0 : i32
    %dma_start3A_116 = tpu.memref_slice %arg3[%dma_start3A_114, %dma_start3A_115] : memref<2000000x64xf32, #tpu.memory_space<hbm>> -> memref<2000000x64xf32, #tpu.memory_space<hbm>>
    %dma_start3A_117 = tpu.memref_slice %arg11[%dma_start3A_109] : memref<4x!tpu.dma_semaphore, #tpu.memory_space<semaphore_mem>> -> memref<1x!tpu.dma_semaphore, #tpu.memory_space<semaphore_mem>>
    %dma_start3A_118 = tpu.memref_squeeze %dma_start3A_117 : memref<1x!tpu.dma_semaphore, #tpu.memory_space<semaphore_mem>> -> memref<!tpu.dma_semaphore, #tpu.memory_space<semaphore_mem>>
    tpu.enqueue_indirect_dma source(%dma_start3A_116 : memref<2000000x64xf32, #tpu.memory_space<hbm>>) target(%dma_start3A_113 : memref<400x64xf32, #tpu.memory_space<vmem>>) offsets(%arg7 : memref<400xi32, #tpu.memory_space<vmem>>) semaphore(%dma_start3A_118 : memref<!tpu.dma_semaphore, #tpu.memory_space<semaphore_mem>>)
    %dma_wait3A_119 = arith.constant 1 : i32
    %dma_wait3A_120 = arith.constant 1 : i32
    %dma_wait3A_121 = arith.constant 0 : i32
    %dma_wait3A_122 = arith.constant 0 : i32
    %dma_wait3A_123 = tpu.memref_slice %arg9[%dma_wait3A_119, %dma_wait3A_121, %dma_wait3A_122] : memref<4x400x64xf32, #tpu.memory_space<vmem>> -> memref<1x400x64xf32, #tpu.memory_space<vmem>>
    %dma_wait3A_124 = tpu.memref_squeeze %dma_wait3A_123 : memref<1x400x64xf32, #tpu.memory_space<vmem>> -> memref<400x64xf32, #tpu.memory_space<vmem>>
    %dma_wait3A_125 = arith.constant 0 : i32
    %dma_wait3A_126 = arith.constant 0 : i32
    %dma_wait3A_127 = tpu.memref_slice %arg3[%dma_wait3A_125, %dma_wait3A_126] : memref<2000000x64xf32, #tpu.memory_space<hbm>> -> memref<2000000x64xf32, #tpu.memory_space<hbm>>
    %dma_wait3A_128 = tpu.memref_slice %arg11[%dma_wait3A_120] : memref<4x!tpu.dma_semaphore, #tpu.memory_space<semaphore_mem>> -> memref<1x!tpu.dma_semaphore, #tpu.memory_space<semaphore_mem>>
    %dma_wait3A_129 = tpu.memref_squeeze %dma_wait3A_128 : memref<1x!tpu.dma_semaphore, #tpu.memory_space<semaphore_mem>> -> memref<!tpu.dma_semaphore, #tpu.memory_space<semaphore_mem>>
    tpu.wait_indirect_dma semaphore(%dma_wait3A_129 : memref<!tpu.dma_semaphore, #tpu.memory_space<semaphore_mem>>) src(%dma_wait3A_127 : memref<2000000x64xf32, #tpu.memory_space<hbm>>) dst(%dma_wait3A_124 : memref<400x64xf32, #tpu.memory_space<vmem>>)
    %add3A_130 = arith.constant 400 : i32
    %add3A_131 = arith.addi %mul3A_2, %add3A_130 : i32
    %dma_start3A_132 = arith.constant 1 : i32
    %dma_start3A_133 = arith.constant 1 : i32
    %dma_start3A_134 = arith.constant 0 : i32
    %dma_start3A_135 = arith.constant 0 : i32
    %dma_start3A_136 = tpu.memref_slice %arg9[%dma_start3A_132, %dma_start3A_134, %dma_start3A_135] : memref<4x400x64xf32, #tpu.memory_space<vmem>> -> memref<1x400x64xf32, #tpu.memory_space<vmem>>
    %dma_start3A_137 = tpu.memref_squeeze %dma_start3A_136 : memref<1x400x64xf32, #tpu.memory_space<vmem>> -> memref<400x64xf32, #tpu.memory_space<vmem>>
    %dma_start3A_138 = arith.constant 0 : i32
    %dma_start3A_139 = tpu.memref_slice %arg4[%add3A_131, %dma_start3A_138] : memref<819200x64xf32, #tpu.memory_space<hbm>> -> memref<400x64xf32, #tpu.memory_space<hbm>>
    %dma_start3A_140 = tpu.memref_slice %arg12[%dma_start3A_133] : memref<4x!tpu.dma_semaphore, #tpu.memory_space<semaphore_mem>> -> memref<1x!tpu.dma_semaphore, #tpu.memory_space<semaphore_mem>>
    %dma_start3A_141 = tpu.memref_squeeze %dma_start3A_140 : memref<1x!tpu.dma_semaphore, #tpu.memory_space<semaphore_mem>> -> memref<!tpu.dma_semaphore, #tpu.memory_space<semaphore_mem>>
    %dma_start3A_142 = arith.constant 0 : i32
    %dma_start3A_143 = tpu.memref_slice %arg4[%add3A_131, %dma_start3A_142] : memref<819200x64xf32, #tpu.memory_space<hbm>> -> memref<400x64xf32, #tpu.memory_space<hbm>>
    %dma_start3A_144 = arith.constant 0 : i32
    %dma_start3A_145 = arith.constant 0 : i32
    %dma_start3A_146 = tpu.memref_slice %arg9[%dma_start3A_132, %dma_start3A_144, %dma_start3A_145] : memref<4x400x64xf32, #tpu.memory_space<vmem>> -> memref<1x400x64xf32, #tpu.memory_space<vmem>>
    %dma_start3A_147 = tpu.memref_squeeze %dma_start3A_146 : memref<1x400x64xf32, #tpu.memory_space<vmem>> -> memref<400x64xf32, #tpu.memory_space<vmem>>
    tpu.enqueue_dma source(%dma_start3A_147 : memref<400x64xf32, #tpu.memory_space<vmem>>) target(%dma_start3A_143 : memref<400x64xf32, #tpu.memory_space<hbm>>) target_semaphore(%dma_start3A_141 : memref<!tpu.dma_semaphore, #tpu.memory_space<semaphore_mem>>)
    %add3A_148 = arith.constant 2000 : i32
    %add3A_149 = arith.addi %mul3A_2, %add3A_148 : i32
    %dma_start3A_150 = arith.constant 1 : i32
    %dma_start3A_151 = tpu.memref_slice %arg2[%add3A_149] : memref<819200xi32, #tpu.memory_space<hbm>> -> memref<400xi32, #tpu.memory_space<hbm>>
    %dma_start3A_152 = tpu.memref_slice %arg10[%dma_start3A_150] : memref<4x!tpu.dma_semaphore, #tpu.memory_space<semaphore_mem>> -> memref<1x!tpu.dma_semaphore, #tpu.memory_space<semaphore_mem>>
    %dma_start3A_153 = tpu.memref_squeeze %dma_start3A_152 : memref<1x!tpu.dma_semaphore, #tpu.memory_space<semaphore_mem>> -> memref<!tpu.dma_semaphore, #tpu.memory_space<semaphore_mem>>
    %dma_start3A_154 = tpu.memref_slice %arg2[%add3A_149] : memref<819200xi32, #tpu.memory_space<hbm>> -> memref<400xi32, #tpu.memory_space<hbm>>
    tpu.enqueue_dma source(%dma_start3A_154 : memref<400xi32, #tpu.memory_space<hbm>>) target(%arg6 : memref<400xi32, #tpu.memory_space<vmem>>) target_semaphore(%dma_start3A_153 : memref<!tpu.dma_semaphore, #tpu.memory_space<semaphore_mem>>)
    %add3A_155 = arith.constant 1200 : i32
    %add3A_156 = arith.addi %mul3A_2, %add3A_155 : i32
    %dma_wait3A_157 = arith.constant 3 : i32
    %dma_wait3A_158 = tpu.memref_slice %arg2[%add3A_156] : memref<819200xi32, #tpu.memory_space<hbm>> -> memref<400xi32, #tpu.memory_space<hbm>>
    %dma_wait3A_159 = tpu.memref_slice %arg10[%dma_wait3A_157] : memref<4x!tpu.dma_semaphore, #tpu.memory_space<semaphore_mem>> -> memref<1x!tpu.dma_semaphore, #tpu.memory_space<semaphore_mem>>
    %dma_wait3A_160 = tpu.memref_squeeze %dma_wait3A_159 : memref<1x!tpu.dma_semaphore, #tpu.memory_space<semaphore_mem>> -> memref<!tpu.dma_semaphore, #tpu.memory_space<semaphore_mem>>
    %dma_wait3A_161 = tpu.memref_slice %arg2[%add3A_156] : memref<819200xi32, #tpu.memory_space<hbm>> -> memref<400xi32, #tpu.memory_space<hbm>>
    tpu.wait_dma2 semaphore(%dma_wait3A_160 : memref<!tpu.dma_semaphore, #tpu.memory_space<semaphore_mem>>) src(%dma_wait3A_161 : memref<400xi32, #tpu.memory_space<hbm>>) dst(%arg8 : memref<400xi32, #tpu.memory_space<vmem>>)
    %dma_start3A_162 = arith.constant 3 : i32
    %dma_start3A_163 = arith.constant 3 : i32
    %dma_start3A_164 = arith.constant 0 : i32
    %dma_start3A_165 = arith.constant 0 : i32
    %dma_start3A_166 = tpu.memref_slice %arg9[%dma_start3A_162, %dma_start3A_164, %dma_start3A_165] : memref<4x400x64xf32, #tpu.memory_space<vmem>> -> memref<1x400x64xf32, #tpu.memory_space<vmem>>
    %dma_start3A_167 = tpu.memref_squeeze %dma_start3A_166 : memref<1x400x64xf32, #tpu.memory_space<vmem>> -> memref<400x64xf32, #tpu.memory_space<vmem>>
    %dma_start3A_168 = arith.constant 0 : i32
    %dma_start3A_169 = arith.constant 0 : i32
    %dma_start3A_170 = tpu.memref_slice %arg3[%dma_start3A_168, %dma_start3A_169] : memref<2000000x64xf32, #tpu.memory_space<hbm>> -> memref<2000000x64xf32, #tpu.memory_space<hbm>>
    %dma_start3A_171 = tpu.memref_slice %arg11[%dma_start3A_163] : memref<4x!tpu.dma_semaphore, #tpu.memory_space<semaphore_mem>> -> memref<1x!tpu.dma_semaphore, #tpu.memory_space<semaphore_mem>>
    %dma_start3A_172 = tpu.memref_squeeze %dma_start3A_171 : memref<1x!tpu.dma_semaphore, #tpu.memory_space<semaphore_mem>> -> memref<!tpu.dma_semaphore, #tpu.memory_space<semaphore_mem>>
    tpu.enqueue_indirect_dma source(%dma_start3A_170 : memref<2000000x64xf32, #tpu.memory_space<hbm>>) target(%dma_start3A_167 : memref<400x64xf32, #tpu.memory_space<vmem>>) offsets(%arg8 : memref<400xi32, #tpu.memory_space<vmem>>) semaphore(%dma_start3A_172 : memref<!tpu.dma_semaphore, #tpu.memory_space<semaphore_mem>>)
    %dma_wait3A_173 = arith.constant 2 : i32
    %dma_wait3A_174 = arith.constant 2 : i32
    %dma_wait3A_175 = arith.constant 0 : i32
    %dma_wait3A_176 = arith.constant 0 : i32
    %dma_wait3A_177 = tpu.memref_slice %arg9[%dma_wait3A_173, %dma_wait3A_175, %dma_wait3A_176] : memref<4x400x64xf32, #tpu.memory_space<vmem>> -> memref<1x400x64xf32, #tpu.memory_space<vmem>>
    %dma_wait3A_178 = tpu.memref_squeeze %dma_wait3A_177 : memref<1x400x64xf32, #tpu.memory_space<vmem>> -> memref<400x64xf32, #tpu.memory_space<vmem>>
    %dma_wait3A_179 = arith.constant 0 : i32
    %dma_wait3A_180 = arith.constant 0 : i32
    %dma_wait3A_181 = tpu.memref_slice %arg3[%dma_wait3A_179, %dma_wait3A_180] : memref<2000000x64xf32, #tpu.memory_space<hbm>> -> memref<2000000x64xf32, #tpu.memory_space<hbm>>
    %dma_wait3A_182 = tpu.memref_slice %arg11[%dma_wait3A_174] : memref<4x!tpu.dma_semaphore, #tpu.memory_space<semaphore_mem>> -> memref<1x!tpu.dma_semaphore, #tpu.memory_space<semaphore_mem>>
    %dma_wait3A_183 = tpu.memref_squeeze %dma_wait3A_182 : memref<1x!tpu.dma_semaphore, #tpu.memory_space<semaphore_mem>> -> memref<!tpu.dma_semaphore, #tpu.memory_space<semaphore_mem>>
    tpu.wait_indirect_dma semaphore(%dma_wait3A_183 : memref<!tpu.dma_semaphore, #tpu.memory_space<semaphore_mem>>) src(%dma_wait3A_181 : memref<2000000x64xf32, #tpu.memory_space<hbm>>) dst(%dma_wait3A_178 : memref<400x64xf32, #tpu.memory_space<vmem>>)
    %add3A_184 = arith.constant 800 : i32
    %add3A_185 = arith.addi %mul3A_2, %add3A_184 : i32
    %dma_start3A_186 = arith.constant 2 : i32
    %dma_start3A_187 = arith.constant 2 : i32
    %dma_start3A_188 = arith.constant 0 : i32
    %dma_start3A_189 = arith.constant 0 : i32
    %dma_start3A_190 = tpu.memref_slice %arg9[%dma_start3A_186, %dma_start3A_188, %dma_start3A_189] : memref<4x400x64xf32, #tpu.memory_space<vmem>> -> memref<1x400x64xf32, #tpu.memory_space<vmem>>
    %dma_start3A_191 = tpu.memref_squeeze %dma_start3A_190 : memref<1x400x64xf32, #tpu.memory_space<vmem>> -> memref<400x64xf32, #tpu.memory_space<vmem>>
    %dma_start3A_192 = arith.constant 0 : i32
    %dma_start3A_193 = tpu.memref_slice %arg4[%add3A_185, %dma_start3A_192] : memref<819200x64xf32, #tpu.memory_space<hbm>> -> memref<400x64xf32, #tpu.memory_space<hbm>>
    %dma_start3A_194 = tpu.memref_slice %arg12[%dma_start3A_187] : memref<4x!tpu.dma_semaphore, #tpu.memory_space<semaphore_mem>> -> memref<1x!tpu.dma_semaphore, #tpu.memory_space<semaphore_mem>>
    %dma_start3A_195 = tpu.memref_squeeze %dma_start3A_194 : memref<1x!tpu.dma_semaphore, #tpu.memory_space<semaphore_mem>> -> memref<!tpu.dma_semaphore, #tpu.memory_space<semaphore_mem>>
    %dma_start3A_196 = arith.constant 0 : i32
    %dma_start3A_197 = tpu.memref_slice %arg4[%add3A_185, %dma_start3A_196] : memref<819200x64xf32, #tpu.memory_space<hbm>> -> memref<400x64xf32, #tpu.memory_space<hbm>>
    %dma_start3A_198 = arith.constant 0 : i32
    %dma_start3A_199 = arith.constant 0 : i32
    %dma_start3A_200 = tpu.memref_slice %arg9[%dma_start3A_186, %dma_start3A_198, %dma_start3A_199] : memref<4x400x64xf32, #tpu.memory_space<vmem>> -> memref<1x400x64xf32, #tpu.memory_space<vmem>>
    %dma_start3A_201 = tpu.memref_squeeze %dma_start3A_200 : memref<1x400x64xf32, #tpu.memory_space<vmem>> -> memref<400x64xf32, #tpu.memory_space<vmem>>
    tpu.enqueue_dma source(%dma_start3A_201 : memref<400x64xf32, #tpu.memory_space<vmem>>) target(%dma_start3A_197 : memref<400x64xf32, #tpu.memory_space<hbm>>) target_semaphore(%dma_start3A_195 : memref<!tpu.dma_semaphore, #tpu.memory_space<semaphore_mem>>)
    %add3A_202 = arith.constant 2400 : i32
    %add3A_203 = arith.addi %mul3A_2, %add3A_202 : i32
    %dma_start3A_204 = arith.constant 2 : i32
    %dma_start3A_205 = tpu.memref_slice %arg2[%add3A_203] : memref<819200xi32, #tpu.memory_space<hbm>> -> memref<400xi32, #tpu.memory_space<hbm>>
    %dma_start3A_206 = tpu.memref_slice %arg10[%dma_start3A_204] : memref<4x!tpu.dma_semaphore, #tpu.memory_space<semaphore_mem>> -> memref<1x!tpu.dma_semaphore, #tpu.memory_space<semaphore_mem>>
    %dma_start3A_207 = tpu.memref_squeeze %dma_start3A_206 : memref<1x!tpu.dma_semaphore, #tpu.memory_space<semaphore_mem>> -> memref<!tpu.dma_semaphore, #tpu.memory_space<semaphore_mem>>
    %dma_start3A_208 = tpu.memref_slice %arg2[%add3A_203] : memref<819200xi32, #tpu.memory_space<hbm>> -> memref<400xi32, #tpu.memory_space<hbm>>
    tpu.enqueue_dma source(%dma_start3A_208 : memref<400xi32, #tpu.memory_space<hbm>>) target(%arg7 : memref<400xi32, #tpu.memory_space<vmem>>) target_semaphore(%dma_start3A_207 : memref<!tpu.dma_semaphore, #tpu.memory_space<semaphore_mem>>)
    %add3A_209 = arith.constant 0 : i32
    %add3A_210 = arith.addi %mul3A_2, %add3A_209 : i32
    %dma_wait3A_211 = arith.constant 0 : i32
    %dma_wait3A_212 = arith.constant 0 : i32
    %dma_wait3A_213 = arith.constant 0 : i32
    %dma_wait3A_214 = arith.constant 0 : i32
    %dma_wait3A_215 = tpu.memref_slice %arg9[%dma_wait3A_211, %dma_wait3A_213, %dma_wait3A_214] : memref<4x400x64xf32, #tpu.memory_space<vmem>> -> memref<1x400x64xf32, #tpu.memory_space<vmem>>
    %dma_wait3A_216 = tpu.memref_squeeze %dma_wait3A_215 : memref<1x400x64xf32, #tpu.memory_space<vmem>> -> memref<400x64xf32, #tpu.memory_space<vmem>>
    %dma_wait3A_217 = arith.constant 0 : i32
    %dma_wait3A_218 = tpu.memref_slice %arg4[%add3A_210, %dma_wait3A_217] : memref<819200x64xf32, #tpu.memory_space<hbm>> -> memref<400x64xf32, #tpu.memory_space<hbm>>
    %dma_wait3A_219 = tpu.memref_slice %arg12[%dma_wait3A_212] : memref<4x!tpu.dma_semaphore, #tpu.memory_space<semaphore_mem>> -> memref<1x!tpu.dma_semaphore, #tpu.memory_space<semaphore_mem>>
    %dma_wait3A_220 = tpu.memref_squeeze %dma_wait3A_219 : memref<1x!tpu.dma_semaphore, #tpu.memory_space<semaphore_mem>> -> memref<!tpu.dma_semaphore, #tpu.memory_space<semaphore_mem>>
    %dma_wait3A_221 = arith.constant 0 : i32
    %dma_wait3A_222 = tpu.memref_slice %arg4[%add3A_210, %dma_wait3A_221] : memref<819200x64xf32, #tpu.memory_space<hbm>> -> memref<400x64xf32, #tpu.memory_space<hbm>>
    %dma_wait3A_223 = arith.constant 0 : i32
    %dma_wait3A_224 = arith.constant 0 : i32
    %dma_wait3A_225 = tpu.memref_slice %arg9[%dma_wait3A_211, %dma_wait3A_223, %dma_wait3A_224] : memref<4x400x64xf32, #tpu.memory_space<vmem>> -> memref<1x400x64xf32, #tpu.memory_space<vmem>>
    %dma_wait3A_226 = tpu.memref_squeeze %dma_wait3A_225 : memref<1x400x64xf32, #tpu.memory_space<vmem>> -> memref<400x64xf32, #tpu.memory_space<vmem>>
    tpu.wait_dma2 semaphore(%dma_wait3A_220 : memref<!tpu.dma_semaphore, #tpu.memory_space<semaphore_mem>>) src(%dma_wait3A_226 : memref<400x64xf32, #tpu.memory_space<vmem>>) dst(%dma_wait3A_222 : memref<400x64xf32, #tpu.memory_space<hbm>>)
    %add3A_227 = arith.constant 1600 : i32
    %add3A_228 = arith.addi %mul3A_2, %add3A_227 : i32
    %dma_wait3A_229 = arith.constant 0 : i32
    %dma_wait3A_230 = tpu.memref_slice %arg2[%add3A_228] : memref<819200xi32, #tpu.memory_space<hbm>> -> memref<400xi32, #tpu.memory_space<hbm>>
    %dma_wait3A_231 = tpu.memref_slice %arg10[%dma_wait3A_229] : memref<4x!tpu.dma_semaphore, #tpu.memory_space<semaphore_mem>> -> memref<1x!tpu.dma_semaphore, #tpu.memory_space<semaphore_mem>>
    %dma_wait3A_232 = tpu.memref_squeeze %dma_wait3A_231 : memref<1x!tpu.dma_semaphore, #tpu.memory_space<semaphore_mem>> -> memref<!tpu.dma_semaphore, #tpu.memory_space<semaphore_mem>>
    %dma_wait3A_233 = tpu.memref_slice %arg2[%add3A_228] : memref<819200xi32, #tpu.memory_space<hbm>> -> memref<400xi32, #tpu.memory_space<hbm>>
    tpu.wait_dma2 semaphore(%dma_wait3A_232 : memref<!tpu.dma_semaphore, #tpu.memory_space<semaphore_mem>>) src(%dma_wait3A_233 : memref<400xi32, #tpu.memory_space<hbm>>) dst(%arg5 : memref<400xi32, #tpu.memory_space<vmem>>)
    %dma_start3A_234 = arith.constant 0 : i32
    %dma_start3A_235 = arith.constant 0 : i32
    %dma_start3A_236 = arith.constant 0 : i32
    %dma_start3A_237 = arith.constant 0 : i32
    %dma_start3A_238 = tpu.memref_slice %arg9[%dma_start3A_234, %dma_start3A_236, %dma_start3A_237] : memref<4x400x64xf32, #tpu.memory_space<vmem>> -> memref<1x400x64xf32, #tpu.memory_space<vmem>>
    %dma_start3A_239 = tpu.memref_squeeze %dma_start3A_238 : memref<1x400x64xf32, #tpu.memory_space<vmem>> -> memref<400x64xf32, #tpu.memory_space<vmem>>
    %dma_start3A_240 = arith.constant 0 : i32
    %dma_start3A_241 = arith.constant 0 : i32
    %dma_start3A_242 = tpu.memref_slice %arg3[%dma_start3A_240, %dma_start3A_241] : memref<2000000x64xf32, #tpu.memory_space<hbm>> -> memref<2000000x64xf32, #tpu.memory_space<hbm>>
    %dma_start3A_243 = tpu.memref_slice %arg11[%dma_start3A_235] : memref<4x!tpu.dma_semaphore, #tpu.memory_space<semaphore_mem>> -> memref<1x!tpu.dma_semaphore, #tpu.memory_space<semaphore_mem>>
    %dma_start3A_244 = tpu.memref_squeeze %dma_start3A_243 : memref<1x!tpu.dma_semaphore, #tpu.memory_space<semaphore_mem>> -> memref<!tpu.dma_semaphore, #tpu.memory_space<semaphore_mem>>
    tpu.enqueue_indirect_dma source(%dma_start3A_242 : memref<2000000x64xf32, #tpu.memory_space<hbm>>) target(%dma_start3A_239 : memref<400x64xf32, #tpu.memory_space<vmem>>) offsets(%arg5 : memref<400xi32, #tpu.memory_space<vmem>>) semaphore(%dma_start3A_244 : memref<!tpu.dma_semaphore, #tpu.memory_space<semaphore_mem>>)
    %dma_wait3A_245 = arith.constant 3 : i32
    %dma_wait3A_246 = arith.constant 3 : i32
    %dma_wait3A_247 = arith.constant 0 : i32
    %dma_wait3A_248 = arith.constant 0 : i32
    %dma_wait3A_249 = tpu.memref_slice %arg9[%dma_wait3A_245, %dma_wait3A_247, %dma_wait3A_248] : memref<4x400x64xf32, #tpu.memory_space<vmem>> -> memref<1x400x64xf32, #tpu.memory_space<vmem>>
    %dma_wait3A_250 = tpu.memref_squeeze %dma_wait3A_249 : memref<1x400x64xf32, #tpu.memory_space<vmem>> -> memref<400x64xf32, #tpu.memory_space<vmem>>
    %dma_wait3A_251 = arith.constant 0 : i32
    %dma_wait3A_252 = arith.constant 0 : i32
    %dma_wait3A_253 = tpu.memref_slice %arg3[%dma_wait3A_251, %dma_wait3A_252] : memref<2000000x64xf32, #tpu.memory_space<hbm>> -> memref<2000000x64xf32, #tpu.memory_space<hbm>>
    %dma_wait3A_254 = tpu.memref_slice %arg11[%dma_wait3A_246] : memref<4x!tpu.dma_semaphore, #tpu.memory_space<semaphore_mem>> -> memref<1x!tpu.dma_semaphore, #tpu.memory_space<semaphore_mem>>
    %dma_wait3A_255 = tpu.memref_squeeze %dma_wait3A_254 : memref<1x!tpu.dma_semaphore, #tpu.memory_space<semaphore_mem>> -> memref<!tpu.dma_semaphore, #tpu.memory_space<semaphore_mem>>
    tpu.wait_indirect_dma semaphore(%dma_wait3A_255 : memref<!tpu.dma_semaphore, #tpu.memory_space<semaphore_mem>>) src(%dma_wait3A_253 : memref<2000000x64xf32, #tpu.memory_space<hbm>>) dst(%dma_wait3A_250 : memref<400x64xf32, #tpu.memory_space<vmem>>)
    %add3A_256 = arith.constant 1200 : i32
    %add3A_257 = arith.addi %mul3A_2, %add3A_256 : i32
    %dma_start3A_258 = arith.constant 3 : i32
    %dma_start3A_259 = arith.constant 3 : i32
    %dma_start3A_260 = arith.constant 0 : i32
    %dma_start3A_261 = arith.constant 0 : i32
    %dma_start3A_262 = tpu.memref_slice %arg9[%dma_start3A_258, %dma_start3A_260, %dma_start3A_261] : memref<4x400x64xf32, #tpu.memory_space<vmem>> -> memref<1x400x64xf32, #tpu.memory_space<vmem>>
    %dma_start3A_263 = tpu.memref_squeeze %dma_start3A_262 : memref<1x400x64xf32, #tpu.memory_space<vmem>> -> memref<400x64xf32, #tpu.memory_space<vmem>>
    %dma_start3A_264 = arith.constant 0 : i32
    %dma_start3A_265 = tpu.memref_slice %arg4[%add3A_257, %dma_start3A_264] : memref<819200x64xf32, #tpu.memory_space<hbm>> -> memref<400x64xf32, #tpu.memory_space<hbm>>
    %dma_start3A_266 = tpu.memref_slice %arg12[%dma_start3A_259] : memref<4x!tpu.dma_semaphore, #tpu.memory_space<semaphore_mem>> -> memref<1x!tpu.dma_semaphore, #tpu.memory_space<semaphore_mem>>
    %dma_start3A_267 = tpu.memref_squeeze %dma_start3A_266 : memref<1x!tpu.dma_semaphore, #tpu.memory_space<semaphore_mem>> -> memref<!tpu.dma_semaphore, #tpu.memory_space<semaphore_mem>>
    %dma_start3A_268 = arith.constant 0 : i32
    %dma_start3A_269 = tpu.memref_slice %arg4[%add3A_257, %dma_start3A_268] : memref<819200x64xf32, #tpu.memory_space<hbm>> -> memref<400x64xf32, #tpu.memory_space<hbm>>
    %dma_start3A_270 = arith.constant 0 : i32
    %dma_start3A_271 = arith.constant 0 : i32
    %dma_start3A_272 = tpu.memref_slice %arg9[%dma_start3A_258, %dma_start3A_270, %dma_start3A_271] : memref<4x400x64xf32, #tpu.memory_space<vmem>> -> memref<1x400x64xf32, #tpu.memory_space<vmem>>
    %dma_start3A_273 = tpu.memref_squeeze %dma_start3A_272 : memref<1x400x64xf32, #tpu.memory_space<vmem>> -> memref<400x64xf32, #tpu.memory_space<vmem>>
    tpu.enqueue_dma source(%dma_start3A_273 : memref<400x64xf32, #tpu.memory_space<vmem>>) target(%dma_start3A_269 : memref<400x64xf32, #tpu.memory_space<hbm>>) target_semaphore(%dma_start3A_267 : memref<!tpu.dma_semaphore, #tpu.memory_space<semaphore_mem>>)
    %add3A_274 = arith.constant 2800 : i32
    %add3A_275 = arith.addi %mul3A_2, %add3A_274 : i32
    %dma_start3A_276 = arith.constant 3 : i32
    %dma_start3A_277 = tpu.memref_slice %arg2[%add3A_275] : memref<819200xi32, #tpu.memory_space<hbm>> -> memref<400xi32, #tpu.memory_space<hbm>>
    %dma_start3A_278 = tpu.memref_slice %arg10[%dma_start3A_276] : memref<4x!tpu.dma_semaphore, #tpu.memory_space<semaphore_mem>> -> memref<1x!tpu.dma_semaphore, #tpu.memory_space<semaphore_mem>>
    %dma_start3A_279 = tpu.memref_squeeze %dma_start3A_278 : memref<1x!tpu.dma_semaphore, #tpu.memory_space<semaphore_mem>> -> memref<!tpu.dma_semaphore, #tpu.memory_space<semaphore_mem>>
    %dma_start3A_280 = tpu.memref_slice %arg2[%add3A_275] : memref<819200xi32, #tpu.memory_space<hbm>> -> memref<400xi32, #tpu.memory_space<hbm>>
    tpu.enqueue_dma source(%dma_start3A_280 : memref<400xi32, #tpu.memory_space<hbm>>) target(%arg8 : memref<400xi32, #tpu.memory_space<vmem>>) target_semaphore(%dma_start3A_279 : memref<!tpu.dma_semaphore, #tpu.memory_space<semaphore_mem>>)
    %add3A_281 = arith.constant 400 : i32
    %add3A_282 = arith.addi %mul3A_2, %add3A_281 : i32
    %dma_wait3A_283 = arith.constant 1 : i32
    %dma_wait3A_284 = arith.constant 1 : i32
    %dma_wait3A_285 = arith.constant 0 : i32
    %dma_wait3A_286 = arith.constant 0 : i32
    %dma_wait3A_287 = tpu.memref_slice %arg9[%dma_wait3A_283, %dma_wait3A_285, %dma_wait3A_286] : memref<4x400x64xf32, #tpu.memory_space<vmem>> -> memref<1x400x64xf32, #tpu.memory_space<vmem>>
    %dma_wait3A_288 = tpu.memref_squeeze %dma_wait3A_287 : memref<1x400x64xf32, #tpu.memory_space<vmem>> -> memref<400x64xf32, #tpu.memory_space<vmem>>
    %dma_wait3A_289 = arith.constant 0 : i32
    %dma_wait3A_290 = tpu.memref_slice %arg4[%add3A_282, %dma_wait3A_289] : memref<819200x64xf32, #tpu.memory_space<hbm>> -> memref<400x64xf32, #tpu.memory_space<hbm>>
    %dma_wait3A_291 = tpu.memref_slice %arg12[%dma_wait3A_284] : memref<4x!tpu.dma_semaphore, #tpu.memory_space<semaphore_mem>> -> memref<1x!tpu.dma_semaphore, #tpu.memory_space<semaphore_mem>>
    %dma_wait3A_292 = tpu.memref_squeeze %dma_wait3A_291 : memref<1x!tpu.dma_semaphore, #tpu.memory_space<semaphore_mem>> -> memref<!tpu.dma_semaphore, #tpu.memory_space<semaphore_mem>>
    %dma_wait3A_293 = arith.constant 0 : i32
    %dma_wait3A_294 = tpu.memref_slice %arg4[%add3A_282, %dma_wait3A_293] : memref<819200x64xf32, #tpu.memory_space<hbm>> -> memref<400x64xf32, #tpu.memory_space<hbm>>
    %dma_wait3A_295 = arith.constant 0 : i32
    %dma_wait3A_296 = arith.constant 0 : i32
    %dma_wait3A_297 = tpu.memref_slice %arg9[%dma_wait3A_283, %dma_wait3A_295, %dma_wait3A_296] : memref<4x400x64xf32, #tpu.memory_space<vmem>> -> memref<1x400x64xf32, #tpu.memory_space<vmem>>
    %dma_wait3A_298 = tpu.memref_squeeze %dma_wait3A_297 : memref<1x400x64xf32, #tpu.memory_space<vmem>> -> memref<400x64xf32, #tpu.memory_space<vmem>>
    tpu.wait_dma2 semaphore(%dma_wait3A_292 : memref<!tpu.dma_semaphore, #tpu.memory_space<semaphore_mem>>) src(%dma_wait3A_298 : memref<400x64xf32, #tpu.memory_space<vmem>>) dst(%dma_wait3A_294 : memref<400x64xf32, #tpu.memory_space<hbm>>)
    %add3A_299 = arith.constant 2000 : i32
    %add3A_300 = arith.addi %mul3A_2, %add3A_299 : i32
    %dma_wait3A_301 = arith.constant 1 : i32
    %dma_wait3A_302 = tpu.memref_slice %arg2[%add3A_300] : memref<819200xi32, #tpu.memory_space<hbm>> -> memref<400xi32, #tpu.memory_space<hbm>>
    %dma_wait3A_303 = tpu.memref_slice %arg10[%dma_wait3A_301] : memref<4x!tpu.dma_semaphore, #tpu.memory_space<semaphore_mem>> -> memref<1x!tpu.dma_semaphore, #tpu.memory_space<semaphore_mem>>
    %dma_wait3A_304 = tpu.memref_squeeze %dma_wait3A_303 : memref<1x!tpu.dma_semaphore, #tpu.memory_space<semaphore_mem>> -> memref<!tpu.dma_semaphore, #tpu.memory_space<semaphore_mem>>
    %dma_wait3A_305 = tpu.memref_slice %arg2[%add3A_300] : memref<819200xi32, #tpu.memory_space<hbm>> -> memref<400xi32, #tpu.memory_space<hbm>>
    tpu.wait_dma2 semaphore(%dma_wait3A_304 : memref<!tpu.dma_semaphore, #tpu.memory_space<semaphore_mem>>) src(%dma_wait3A_305 : memref<400xi32, #tpu.memory_space<hbm>>) dst(%arg6 : memref<400xi32, #tpu.memory_space<vmem>>)
    %dma_start3A_306 = arith.constant 1 : i32
    %dma_start3A_307 = arith.constant 1 : i32
    %dma_start3A_308 = arith.constant 0 : i32
    %dma_start3A_309 = arith.constant 0 : i32
    %dma_start3A_310 = tpu.memref_slice %arg9[%dma_start3A_306, %dma_start3A_308, %dma_start3A_309] : memref<4x400x64xf32, #tpu.memory_space<vmem>> -> memref<1x400x64xf32, #tpu.memory_space<vmem>>
    %dma_start3A_311 = tpu.memref_squeeze %dma_start3A_310 : memref<1x400x64xf32, #tpu.memory_space<vmem>> -> memref<400x64xf32, #tpu.memory_space<vmem>>
    %dma_start3A_312 = arith.constant 0 : i32
    %dma_start3A_313 = arith.constant 0 : i32
    %dma_start3A_314 = tpu.memref_slice %arg3[%dma_start3A_312, %dma_start3A_313] : memref<2000000x64xf32, #tpu.memory_space<hbm>> -> memref<2000000x64xf32, #tpu.memory_space<hbm>>
    %dma_start3A_315 = tpu.memref_slice %arg11[%dma_start3A_307] : memref<4x!tpu.dma_semaphore, #tpu.memory_space<semaphore_mem>> -> memref<1x!tpu.dma_semaphore, #tpu.memory_space<semaphore_mem>>
    %dma_start3A_316 = tpu.memref_squeeze %dma_start3A_315 : memref<1x!tpu.dma_semaphore, #tpu.memory_space<semaphore_mem>> -> memref<!tpu.dma_semaphore, #tpu.memory_space<semaphore_mem>>
    tpu.enqueue_indirect_dma source(%dma_start3A_314 : memref<2000000x64xf32, #tpu.memory_space<hbm>>) target(%dma_start3A_311 : memref<400x64xf32, #tpu.memory_space<vmem>>) offsets(%arg6 : memref<400xi32, #tpu.memory_space<vmem>>) semaphore(%dma_start3A_316 : memref<!tpu.dma_semaphore, #tpu.memory_space<semaphore_mem>>)
    %scan3A = arith.constant 0 : i32
    %scan3A_317 = arith.constant 1 : i32
    %scan3A_318 = arith.constant 14 : i32
    %scan3A_319 = arith.addi %scan3A_317, %scan3A_318 : i32
    %scan3A_320 = arith.constant 1 : i32
    scf.for %scan3A_582 = %scan3A_317 to %scan3A_319 step %scan3A_320  : i32 {
      %mul3A_583 = arith.constant 4 : i32
      %mul3A_584 = arith.muli %scan3A_582, %mul3A_583 : i32
      %add3A_585 = arith.constant 0 : i32
      %add3A_586 = arith.addi %mul3A_584, %add3A_585 : i32
      %dma_wait3A_587 = arith.constant 0 : i32
      %dma_wait3A_588 = arith.constant 0 : i32
      %dma_wait3A_589 = arith.constant 0 : i32
      %dma_wait3A_590 = arith.constant 0 : i32
      %dma_wait3A_591 = tpu.memref_slice %arg9[%dma_wait3A_587, %dma_wait3A_589, %dma_wait3A_590] : memref<4x400x64xf32, #tpu.memory_space<vmem>> -> memref<1x400x64xf32, #tpu.memory_space<vmem>>
      %dma_wait3A_592 = tpu.memref_squeeze %dma_wait3A_591 : memref<1x400x64xf32, #tpu.memory_space<vmem>> -> memref<400x64xf32, #tpu.memory_space<vmem>>
      %dma_wait3A_593 = arith.constant 0 : i32
      %dma_wait3A_594 = arith.constant 0 : i32
      %dma_wait3A_595 = tpu.memref_slice %arg3[%dma_wait3A_593, %dma_wait3A_594] : memref<2000000x64xf32, #tpu.memory_space<hbm>> -> memref<2000000x64xf32, #tpu.memory_space<hbm>>
      %dma_wait3A_596 = tpu.memref_slice %arg11[%dma_wait3A_588] : memref<4x!tpu.dma_semaphore, #tpu.memory_space<semaphore_mem>> -> memref<1x!tpu.dma_semaphore, #tpu.memory_space<semaphore_mem>>
      %dma_wait3A_597 = tpu.memref_squeeze %dma_wait3A_596 : memref<1x!tpu.dma_semaphore, #tpu.memory_space<semaphore_mem>> -> memref<!tpu.dma_semaphore, #tpu.memory_space<semaphore_mem>>
      tpu.wait_indirect_dma semaphore(%dma_wait3A_597 : memref<!tpu.dma_semaphore, #tpu.memory_space<semaphore_mem>>) src(%dma_wait3A_595 : memref<2000000x64xf32, #tpu.memory_space<hbm>>) dst(%dma_wait3A_592 : memref<400x64xf32, #tpu.memory_space<vmem>>)
      %mul3A_598 = arith.constant 400 : i32
      %mul3A_599 = arith.muli %add3A_586, %mul3A_598 : i32
      %add3A_600 = arith.addi %mul3A_2, %mul3A_599 : i32
      %dma_start3A_601 = arith.constant 0 : i32
      %dma_start3A_602 = arith.constant 0 : i32
      %dma_start3A_603 = arith.constant 0 : i32
      %dma_start3A_604 = arith.constant 0 : i32
      %dma_start3A_605 = tpu.memref_slice %arg9[%dma_start3A_601, %dma_start3A_603, %dma_start3A_604] : memref<4x400x64xf32, #tpu.memory_space<vmem>> -> memref<1x400x64xf32, #tpu.memory_space<vmem>>
      %dma_start3A_606 = tpu.memref_squeeze %dma_start3A_605 : memref<1x400x64xf32, #tpu.memory_space<vmem>> -> memref<400x64xf32, #tpu.memory_space<vmem>>
      %dma_start3A_607 = arith.constant 0 : i32
      %dma_start3A_608 = tpu.memref_slice %arg4[%add3A_600, %dma_start3A_607] : memref<819200x64xf32, #tpu.memory_space<hbm>> -> memref<400x64xf32, #tpu.memory_space<hbm>>
      %dma_start3A_609 = tpu.memref_slice %arg12[%dma_start3A_602] : memref<4x!tpu.dma_semaphore, #tpu.memory_space<semaphore_mem>> -> memref<1x!tpu.dma_semaphore, #tpu.memory_space<semaphore_mem>>
      %dma_start3A_610 = tpu.memref_squeeze %dma_start3A_609 : memref<1x!tpu.dma_semaphore, #tpu.memory_space<semaphore_mem>> -> memref<!tpu.dma_semaphore, #tpu.memory_space<semaphore_mem>>
      %dma_start3A_611 = arith.constant 0 : i32
      %dma_start3A_612 = tpu.memref_slice %arg4[%add3A_600, %dma_start3A_611] : memref<819200x64xf32, #tpu.memory_space<hbm>> -> memref<400x64xf32, #tpu.memory_space<hbm>>
      %dma_start3A_613 = arith.constant 0 : i32
      %dma_start3A_614 = arith.constant 0 : i32
      %dma_start3A_615 = tpu.memref_slice %arg9[%dma_start3A_601, %dma_start3A_613, %dma_start3A_614] : memref<4x400x64xf32, #tpu.memory_space<vmem>> -> memref<1x400x64xf32, #tpu.memory_space<vmem>>
      %dma_start3A_616 = tpu.memref_squeeze %dma_start3A_615 : memref<1x400x64xf32, #tpu.memory_space<vmem>> -> memref<400x64xf32, #tpu.memory_space<vmem>>
      tpu.enqueue_dma source(%dma_start3A_616 : memref<400x64xf32, #tpu.memory_space<vmem>>) target(%dma_start3A_612 : memref<400x64xf32, #tpu.memory_space<hbm>>) target_semaphore(%dma_start3A_610 : memref<!tpu.dma_semaphore, #tpu.memory_space<semaphore_mem>>)
      %add3A_617 = arith.constant 4 : i32
      %add3A_618 = arith.addi %add3A_586, %add3A_617 : i32
      %mul3A_619 = arith.constant 400 : i32
      %mul3A_620 = arith.muli %add3A_618, %mul3A_619 : i32
      %add3A_621 = arith.addi %mul3A_2, %mul3A_620 : i32
      %dma_start3A_622 = arith.constant 0 : i32
      %dma_start3A_623 = tpu.memref_slice %arg2[%add3A_621] : memref<819200xi32, #tpu.memory_space<hbm>> -> memref<400xi32, #tpu.memory_space<hbm>>
      %dma_start3A_624 = tpu.memref_slice %arg10[%dma_start3A_622] : memref<4x!tpu.dma_semaphore, #tpu.memory_space<semaphore_mem>> -> memref<1x!tpu.dma_semaphore, #tpu.memory_space<semaphore_mem>>
      %dma_start3A_625 = tpu.memref_squeeze %dma_start3A_624 : memref<1x!tpu.dma_semaphore, #tpu.memory_space<semaphore_mem>> -> memref<!tpu.dma_semaphore, #tpu.memory_space<semaphore_mem>>
      %dma_start3A_626 = tpu.memref_slice %arg2[%add3A_621] : memref<819200xi32, #tpu.memory_space<hbm>> -> memref<400xi32, #tpu.memory_space<hbm>>
      tpu.enqueue_dma source(%dma_start3A_626 : memref<400xi32, #tpu.memory_space<hbm>>) target(%arg5 : memref<400xi32, #tpu.memory_space<vmem>>) target_semaphore(%dma_start3A_625 : memref<!tpu.dma_semaphore, #tpu.memory_space<semaphore_mem>>)
      %sub3A = arith.constant 2 : i32
      %sub3A_627 = arith.subi %add3A_586, %sub3A : i32
      %mul3A_628 = arith.constant 400 : i32
      %mul3A_629 = arith.muli %sub3A_627, %mul3A_628 : i32
      %add3A_630 = arith.addi %mul3A_2, %mul3A_629 : i32
      %dma_wait3A_631 = arith.constant 2 : i32
      %dma_wait3A_632 = arith.constant 2 : i32
      %dma_wait3A_633 = arith.constant 0 : i32
      %dma_wait3A_634 = arith.constant 0 : i32
      %dma_wait3A_635 = tpu.memref_slice %arg9[%dma_wait3A_631, %dma_wait3A_633, %dma_wait3A_634] : memref<4x400x64xf32, #tpu.memory_space<vmem>> -> memref<1x400x64xf32, #tpu.memory_space<vmem>>
      %dma_wait3A_636 = tpu.memref_squeeze %dma_wait3A_635 : memref<1x400x64xf32, #tpu.memory_space<vmem>> -> memref<400x64xf32, #tpu.memory_space<vmem>>
      %dma_wait3A_637 = arith.constant 0 : i32
      %dma_wait3A_638 = tpu.memref_slice %arg4[%add3A_630, %dma_wait3A_637] : memref<819200x64xf32, #tpu.memory_space<hbm>> -> memref<400x64xf32, #tpu.memory_space<hbm>>
      %dma_wait3A_639 = tpu.memref_slice %arg12[%dma_wait3A_632] : memref<4x!tpu.dma_semaphore, #tpu.memory_space<semaphore_mem>> -> memref<1x!tpu.dma_semaphore, #tpu.memory_space<semaphore_mem>>
      %dma_wait3A_640 = tpu.memref_squeeze %dma_wait3A_639 : memref<1x!tpu.dma_semaphore, #tpu.memory_space<semaphore_mem>> -> memref<!tpu.dma_semaphore, #tpu.memory_space<semaphore_mem>>
      %dma_wait3A_641 = arith.constant 0 : i32
      %dma_wait3A_642 = tpu.memref_slice %arg4[%add3A_630, %dma_wait3A_641] : memref<819200x64xf32, #tpu.memory_space<hbm>> -> memref<400x64xf32, #tpu.memory_space<hbm>>
      %dma_wait3A_643 = arith.constant 0 : i32
      %dma_wait3A_644 = arith.constant 0 : i32
      %dma_wait3A_645 = tpu.memref_slice %arg9[%dma_wait3A_631, %dma_wait3A_643, %dma_wait3A_644] : memref<4x400x64xf32, #tpu.memory_space<vmem>> -> memref<1x400x64xf32, #tpu.memory_space<vmem>>
      %dma_wait3A_646 = tpu.memref_squeeze %dma_wait3A_645 : memref<1x400x64xf32, #tpu.memory_space<vmem>> -> memref<400x64xf32, #tpu.memory_space<vmem>>
      tpu.wait_dma2 semaphore(%dma_wait3A_640 : memref<!tpu.dma_semaphore, #tpu.memory_space<semaphore_mem>>) src(%dma_wait3A_646 : memref<400x64xf32, #tpu.memory_space<vmem>>) dst(%dma_wait3A_642 : memref<400x64xf32, #tpu.memory_space<hbm>>)
      %add3A_647 = arith.constant 2 : i32
      %add3A_648 = arith.addi %add3A_586, %add3A_647 : i32
      %mul3A_649 = arith.constant 400 : i32
      %mul3A_650 = arith.muli %add3A_648, %mul3A_649 : i32
      %add3A_651 = arith.addi %mul3A_2, %mul3A_650 : i32
      %dma_wait3A_652 = arith.constant 2 : i32
      %dma_wait3A_653 = tpu.memref_slice %arg2[%add3A_651] : memref<819200xi32, #tpu.memory_space<hbm>> -> memref<400xi32, #tpu.memory_space<hbm>>
      %dma_wait3A_654 = tpu.memref_slice %arg10[%dma_wait3A_652] : memref<4x!tpu.dma_semaphore, #tpu.memory_space<semaphore_mem>> -> memref<1x!tpu.dma_semaphore, #tpu.memory_space<semaphore_mem>>
      %dma_wait3A_655 = tpu.memref_squeeze %dma_wait3A_654 : memref<1x!tpu.dma_semaphore, #tpu.memory_space<semaphore_mem>> -> memref<!tpu.dma_semaphore, #tpu.memory_space<semaphore_mem>>
      %dma_wait3A_656 = tpu.memref_slice %arg2[%add3A_651] : memref<819200xi32, #tpu.memory_space<hbm>> -> memref<400xi32, #tpu.memory_space<hbm>>
      tpu.wait_dma2 semaphore(%dma_wait3A_655 : memref<!tpu.dma_semaphore, #tpu.memory_space<semaphore_mem>>) src(%dma_wait3A_656 : memref<400xi32, #tpu.memory_space<hbm>>) dst(%arg7 : memref<400xi32, #tpu.memory_space<vmem>>)
      %dma_start3A_657 = arith.constant 2 : i32
      %dma_start3A_658 = arith.constant 2 : i32
      %dma_start3A_659 = arith.constant 0 : i32
      %dma_start3A_660 = arith.constant 0 : i32
      %dma_start3A_661 = tpu.memref_slice %arg9[%dma_start3A_657, %dma_start3A_659, %dma_start3A_660] : memref<4x400x64xf32, #tpu.memory_space<vmem>> -> memref<1x400x64xf32, #tpu.memory_space<vmem>>
      %dma_start3A_662 = tpu.memref_squeeze %dma_start3A_661 : memref<1x400x64xf32, #tpu.memory_space<vmem>> -> memref<400x64xf32, #tpu.memory_space<vmem>>
      %dma_start3A_663 = arith.constant 0 : i32
      %dma_start3A_664 = arith.constant 0 : i32
      %dma_start3A_665 = tpu.memref_slice %arg3[%dma_start3A_663, %dma_start3A_664] : memref<2000000x64xf32, #tpu.memory_space<hbm>> -> memref<2000000x64xf32, #tpu.memory_space<hbm>>
      %dma_start3A_666 = tpu.memref_slice %arg11[%dma_start3A_658] : memref<4x!tpu.dma_semaphore, #tpu.memory_space<semaphore_mem>> -> memref<1x!tpu.dma_semaphore, #tpu.memory_space<semaphore_mem>>
      %dma_start3A_667 = tpu.memref_squeeze %dma_start3A_666 : memref<1x!tpu.dma_semaphore, #tpu.memory_space<semaphore_mem>> -> memref<!tpu.dma_semaphore, #tpu.memory_space<semaphore_mem>>
      tpu.enqueue_indirect_dma source(%dma_start3A_665 : memref<2000000x64xf32, #tpu.memory_space<hbm>>) target(%dma_start3A_662 : memref<400x64xf32, #tpu.memory_space<vmem>>) offsets(%arg7 : memref<400xi32, #tpu.memory_space<vmem>>) semaphore(%dma_start3A_667 : memref<!tpu.dma_semaphore, #tpu.memory_space<semaphore_mem>>)
      %mul3A_668 = arith.constant 4 : i32
      %mul3A_669 = arith.muli %scan3A_582, %mul3A_668 : i32
      %add3A_670 = arith.constant 1 : i32
      %add3A_671 = arith.addi %mul3A_669, %add3A_670 : i32
      %dma_wait3A_672 = arith.constant 1 : i32
      %dma_wait3A_673 = arith.constant 1 : i32
      %dma_wait3A_674 = arith.constant 0 : i32
      %dma_wait3A_675 = arith.constant 0 : i32
      %dma_wait3A_676 = tpu.memref_slice %arg9[%dma_wait3A_672, %dma_wait3A_674, %dma_wait3A_675] : memref<4x400x64xf32, #tpu.memory_space<vmem>> -> memref<1x400x64xf32, #tpu.memory_space<vmem>>
      %dma_wait3A_677 = tpu.memref_squeeze %dma_wait3A_676 : memref<1x400x64xf32, #tpu.memory_space<vmem>> -> memref<400x64xf32, #tpu.memory_space<vmem>>
      %dma_wait3A_678 = arith.constant 0 : i32
      %dma_wait3A_679 = arith.constant 0 : i32
      %dma_wait3A_680 = tpu.memref_slice %arg3[%dma_wait3A_678, %dma_wait3A_679] : memref<2000000x64xf32, #tpu.memory_space<hbm>> -> memref<2000000x64xf32, #tpu.memory_space<hbm>>
      %dma_wait3A_681 = tpu.memref_slice %arg11[%dma_wait3A_673] : memref<4x!tpu.dma_semaphore, #tpu.memory_space<semaphore_mem>> -> memref<1x!tpu.dma_semaphore, #tpu.memory_space<semaphore_mem>>
      %dma_wait3A_682 = tpu.memref_squeeze %dma_wait3A_681 : memref<1x!tpu.dma_semaphore, #tpu.memory_space<semaphore_mem>> -> memref<!tpu.dma_semaphore, #tpu.memory_space<semaphore_mem>>
      tpu.wait_indirect_dma semaphore(%dma_wait3A_682 : memref<!tpu.dma_semaphore, #tpu.memory_space<semaphore_mem>>) src(%dma_wait3A_680 : memref<2000000x64xf32, #tpu.memory_space<hbm>>) dst(%dma_wait3A_677 : memref<400x64xf32, #tpu.memory_space<vmem>>)
      %mul3A_683 = arith.constant 400 : i32
      %mul3A_684 = arith.muli %add3A_671, %mul3A_683 : i32
      %add3A_685 = arith.addi %mul3A_2, %mul3A_684 : i32
      %dma_start3A_686 = arith.constant 1 : i32
      %dma_start3A_687 = arith.constant 1 : i32
      %dma_start3A_688 = arith.constant 0 : i32
      %dma_start3A_689 = arith.constant 0 : i32
      %dma_start3A_690 = tpu.memref_slice %arg9[%dma_start3A_686, %dma_start3A_688, %dma_start3A_689] : memref<4x400x64xf32, #tpu.memory_space<vmem>> -> memref<1x400x64xf32, #tpu.memory_space<vmem>>
      %dma_start3A_691 = tpu.memref_squeeze %dma_start3A_690 : memref<1x400x64xf32, #tpu.memory_space<vmem>> -> memref<400x64xf32, #tpu.memory_space<vmem>>
      %dma_start3A_692 = arith.constant 0 : i32
      %dma_start3A_693 = tpu.memref_slice %arg4[%add3A_685, %dma_start3A_692] : memref<819200x64xf32, #tpu.memory_space<hbm>> -> memref<400x64xf32, #tpu.memory_space<hbm>>
      %dma_start3A_694 = tpu.memref_slice %arg12[%dma_start3A_687] : memref<4x!tpu.dma_semaphore, #tpu.memory_space<semaphore_mem>> -> memref<1x!tpu.dma_semaphore, #tpu.memory_space<semaphore_mem>>
      %dma_start3A_695 = tpu.memref_squeeze %dma_start3A_694 : memref<1x!tpu.dma_semaphore, #tpu.memory_space<semaphore_mem>> -> memref<!tpu.dma_semaphore, #tpu.memory_space<semaphore_mem>>
      %dma_start3A_696 = arith.constant 0 : i32
      %dma_start3A_697 = tpu.memref_slice %arg4[%add3A_685, %dma_start3A_696] : memref<819200x64xf32, #tpu.memory_space<hbm>> -> memref<400x64xf32, #tpu.memory_space<hbm>>
      %dma_start3A_698 = arith.constant 0 : i32
      %dma_start3A_699 = arith.constant 0 : i32
      %dma_start3A_700 = tpu.memref_slice %arg9[%dma_start3A_686, %dma_start3A_698, %dma_start3A_699] : memref<4x400x64xf32, #tpu.memory_space<vmem>> -> memref<1x400x64xf32, #tpu.memory_space<vmem>>
      %dma_start3A_701 = tpu.memref_squeeze %dma_start3A_700 : memref<1x400x64xf32, #tpu.memory_space<vmem>> -> memref<400x64xf32, #tpu.memory_space<vmem>>
      tpu.enqueue_dma source(%dma_start3A_701 : memref<400x64xf32, #tpu.memory_space<vmem>>) target(%dma_start3A_697 : memref<400x64xf32, #tpu.memory_space<hbm>>) target_semaphore(%dma_start3A_695 : memref<!tpu.dma_semaphore, #tpu.memory_space<semaphore_mem>>)
      %add3A_702 = arith.constant 4 : i32
      %add3A_703 = arith.addi %add3A_671, %add3A_702 : i32
      %mul3A_704 = arith.constant 400 : i32
      %mul3A_705 = arith.muli %add3A_703, %mul3A_704 : i32
      %add3A_706 = arith.addi %mul3A_2, %mul3A_705 : i32
      %dma_start3A_707 = arith.constant 1 : i32
      %dma_start3A_708 = tpu.memref_slice %arg2[%add3A_706] : memref<819200xi32, #tpu.memory_space<hbm>> -> memref<400xi32, #tpu.memory_space<hbm>>
      %dma_start3A_709 = tpu.memref_slice %arg10[%dma_start3A_707] : memref<4x!tpu.dma_semaphore, #tpu.memory_space<semaphore_mem>> -> memref<1x!tpu.dma_semaphore, #tpu.memory_space<semaphore_mem>>
      %dma_start3A_710 = tpu.memref_squeeze %dma_start3A_709 : memref<1x!tpu.dma_semaphore, #tpu.memory_space<semaphore_mem>> -> memref<!tpu.dma_semaphore, #tpu.memory_space<semaphore_mem>>
      %dma_start3A_711 = tpu.memref_slice %arg2[%add3A_706] : memref<819200xi32, #tpu.memory_space<hbm>> -> memref<400xi32, #tpu.memory_space<hbm>>
      tpu.enqueue_dma source(%dma_start3A_711 : memref<400xi32, #tpu.memory_space<hbm>>) target(%arg6 : memref<400xi32, #tpu.memory_space<vmem>>) target_semaphore(%dma_start3A_710 : memref<!tpu.dma_semaphore, #tpu.memory_space<semaphore_mem>>)
      %sub3A_712 = arith.constant 2 : i32
      %sub3A_713 = arith.subi %add3A_671, %sub3A_712 : i32
      %mul3A_714 = arith.constant 400 : i32
      %mul3A_715 = arith.muli %sub3A_713, %mul3A_714 : i32
      %add3A_716 = arith.addi %mul3A_2, %mul3A_715 : i32
      %dma_wait3A_717 = arith.constant 3 : i32
      %dma_wait3A_718 = arith.constant 3 : i32
      %dma_wait3A_719 = arith.constant 0 : i32
      %dma_wait3A_720 = arith.constant 0 : i32
      %dma_wait3A_721 = tpu.memref_slice %arg9[%dma_wait3A_717, %dma_wait3A_719, %dma_wait3A_720] : memref<4x400x64xf32, #tpu.memory_space<vmem>> -> memref<1x400x64xf32, #tpu.memory_space<vmem>>
      %dma_wait3A_722 = tpu.memref_squeeze %dma_wait3A_721 : memref<1x400x64xf32, #tpu.memory_space<vmem>> -> memref<400x64xf32, #tpu.memory_space<vmem>>
      %dma_wait3A_723 = arith.constant 0 : i32
      %dma_wait3A_724 = tpu.memref_slice %arg4[%add3A_716, %dma_wait3A_723] : memref<819200x64xf32, #tpu.memory_space<hbm>> -> memref<400x64xf32, #tpu.memory_space<hbm>>
      %dma_wait3A_725 = tpu.memref_slice %arg12[%dma_wait3A_718] : memref<4x!tpu.dma_semaphore, #tpu.memory_space<semaphore_mem>> -> memref<1x!tpu.dma_semaphore, #tpu.memory_space<semaphore_mem>>
      %dma_wait3A_726 = tpu.memref_squeeze %dma_wait3A_725 : memref<1x!tpu.dma_semaphore, #tpu.memory_space<semaphore_mem>> -> memref<!tpu.dma_semaphore, #tpu.memory_space<semaphore_mem>>
      %dma_wait3A_727 = arith.constant 0 : i32
      %dma_wait3A_728 = tpu.memref_slice %arg4[%add3A_716, %dma_wait3A_727] : memref<819200x64xf32, #tpu.memory_space<hbm>> -> memref<400x64xf32, #tpu.memory_space<hbm>>
      %dma_wait3A_729 = arith.constant 0 : i32
      %dma_wait3A_730 = arith.constant 0 : i32
      %dma_wait3A_731 = tpu.memref_slice %arg9[%dma_wait3A_717, %dma_wait3A_729, %dma_wait3A_730] : memref<4x400x64xf32, #tpu.memory_space<vmem>> -> memref<1x400x64xf32, #tpu.memory_space<vmem>>
      %dma_wait3A_732 = tpu.memref_squeeze %dma_wait3A_731 : memref<1x400x64xf32, #tpu.memory_space<vmem>> -> memref<400x64xf32, #tpu.memory_space<vmem>>
      tpu.wait_dma2 semaphore(%dma_wait3A_726 : memref<!tpu.dma_semaphore, #tpu.memory_space<semaphore_mem>>) src(%dma_wait3A_732 : memref<400x64xf32, #tpu.memory_space<vmem>>) dst(%dma_wait3A_728 : memref<400x64xf32, #tpu.memory_space<hbm>>)
      %add3A_733 = arith.constant 2 : i32
      %add3A_734 = arith.addi %add3A_671, %add3A_733 : i32
      %mul3A_735 = arith.constant 400 : i32
      %mul3A_736 = arith.muli %add3A_734, %mul3A_735 : i32
      %add3A_737 = arith.addi %mul3A_2, %mul3A_736 : i32
      %dma_wait3A_738 = arith.constant 3 : i32
      %dma_wait3A_739 = tpu.memref_slice %arg2[%add3A_737] : memref<819200xi32, #tpu.memory_space<hbm>> -> memref<400xi32, #tpu.memory_space<hbm>>
      %dma_wait3A_740 = tpu.memref_slice %arg10[%dma_wait3A_738] : memref<4x!tpu.dma_semaphore, #tpu.memory_space<semaphore_mem>> -> memref<1x!tpu.dma_semaphore, #tpu.memory_space<semaphore_mem>>
      %dma_wait3A_741 = tpu.memref_squeeze %dma_wait3A_740 : memref<1x!tpu.dma_semaphore, #tpu.memory_space<semaphore_mem>> -> memref<!tpu.dma_semaphore, #tpu.memory_space<semaphore_mem>>
      %dma_wait3A_742 = tpu.memref_slice %arg2[%add3A_737] : memref<819200xi32, #tpu.memory_space<hbm>> -> memref<400xi32, #tpu.memory_space<hbm>>
      tpu.wait_dma2 semaphore(%dma_wait3A_741 : memref<!tpu.dma_semaphore, #tpu.memory_space<semaphore_mem>>) src(%dma_wait3A_742 : memref<400xi32, #tpu.memory_space<hbm>>) dst(%arg8 : memref<400xi32, #tpu.memory_space<vmem>>)
      %dma_start3A_743 = arith.constant 3 : i32
      %dma_start3A_744 = arith.constant 3 : i32
      %dma_start3A_745 = arith.constant 0 : i32
      %dma_start3A_746 = arith.constant 0 : i32
      %dma_start3A_747 = tpu.memref_slice %arg9[%dma_start3A_743, %dma_start3A_745, %dma_start3A_746] : memref<4x400x64xf32, #tpu.memory_space<vmem>> -> memref<1x400x64xf32, #tpu.memory_space<vmem>>
      %dma_start3A_748 = tpu.memref_squeeze %dma_start3A_747 : memref<1x400x64xf32, #tpu.memory_space<vmem>> -> memref<400x64xf32, #tpu.memory_space<vmem>>
      %dma_start3A_749 = arith.constant 0 : i32
      %dma_start3A_750 = arith.constant 0 : i32
      %dma_start3A_751 = tpu.memref_slice %arg3[%dma_start3A_749, %dma_start3A_750] : memref<2000000x64xf32, #tpu.memory_space<hbm>> -> memref<2000000x64xf32, #tpu.memory_space<hbm>>
      %dma_start3A_752 = tpu.memref_slice %arg11[%dma_start3A_744] : memref<4x!tpu.dma_semaphore, #tpu.memory_space<semaphore_mem>> -> memref<1x!tpu.dma_semaphore, #tpu.memory_space<semaphore_mem>>
      %dma_start3A_753 = tpu.memref_squeeze %dma_start3A_752 : memref<1x!tpu.dma_semaphore, #tpu.memory_space<semaphore_mem>> -> memref<!tpu.dma_semaphore, #tpu.memory_space<semaphore_mem>>
      tpu.enqueue_indirect_dma source(%dma_start3A_751 : memref<2000000x64xf32, #tpu.memory_space<hbm>>) target(%dma_start3A_748 : memref<400x64xf32, #tpu.memory_space<vmem>>) offsets(%arg8 : memref<400xi32, #tpu.memory_space<vmem>>) semaphore(%dma_start3A_753 : memref<!tpu.dma_semaphore, #tpu.memory_space<semaphore_mem>>)
      %mul3A_754 = arith.constant 4 : i32
      %mul3A_755 = arith.muli %scan3A_582, %mul3A_754 : i32
      %add3A_756 = arith.constant 2 : i32
      %add3A_757 = arith.addi %mul3A_755, %add3A_756 : i32
      %dma_wait3A_758 = arith.constant 2 : i32
      %dma_wait3A_759 = arith.constant 2 : i32
      %dma_wait3A_760 = arith.constant 0 : i32
      %dma_wait3A_761 = arith.constant 0 : i32
      %dma_wait3A_762 = tpu.memref_slice %arg9[%dma_wait3A_758, %dma_wait3A_760, %dma_wait3A_761] : memref<4x400x64xf32, #tpu.memory_space<vmem>> -> memref<1x400x64xf32, #tpu.memory_space<vmem>>
      %dma_wait3A_763 = tpu.memref_squeeze %dma_wait3A_762 : memref<1x400x64xf32, #tpu.memory_space<vmem>> -> memref<400x64xf32, #tpu.memory_space<vmem>>
      %dma_wait3A_764 = arith.constant 0 : i32
      %dma_wait3A_765 = arith.constant 0 : i32
      %dma_wait3A_766 = tpu.memref_slice %arg3[%dma_wait3A_764, %dma_wait3A_765] : memref<2000000x64xf32, #tpu.memory_space<hbm>> -> memref<2000000x64xf32, #tpu.memory_space<hbm>>
      %dma_wait3A_767 = tpu.memref_slice %arg11[%dma_wait3A_759] : memref<4x!tpu.dma_semaphore, #tpu.memory_space<semaphore_mem>> -> memref<1x!tpu.dma_semaphore, #tpu.memory_space<semaphore_mem>>
      %dma_wait3A_768 = tpu.memref_squeeze %dma_wait3A_767 : memref<1x!tpu.dma_semaphore, #tpu.memory_space<semaphore_mem>> -> memref<!tpu.dma_semaphore, #tpu.memory_space<semaphore_mem>>
      tpu.wait_indirect_dma semaphore(%dma_wait3A_768 : memref<!tpu.dma_semaphore, #tpu.memory_space<semaphore_mem>>) src(%dma_wait3A_766 : memref<2000000x64xf32, #tpu.memory_space<hbm>>) dst(%dma_wait3A_763 : memref<400x64xf32, #tpu.memory_space<vmem>>)
      %mul3A_769 = arith.constant 400 : i32
      %mul3A_770 = arith.muli %add3A_757, %mul3A_769 : i32
      %add3A_771 = arith.addi %mul3A_2, %mul3A_770 : i32
      %dma_start3A_772 = arith.constant 2 : i32
      %dma_start3A_773 = arith.constant 2 : i32
      %dma_start3A_774 = arith.constant 0 : i32
      %dma_start3A_775 = arith.constant 0 : i32
      %dma_start3A_776 = tpu.memref_slice %arg9[%dma_start3A_772, %dma_start3A_774, %dma_start3A_775] : memref<4x400x64xf32, #tpu.memory_space<vmem>> -> memref<1x400x64xf32, #tpu.memory_space<vmem>>
      %dma_start3A_777 = tpu.memref_squeeze %dma_start3A_776 : memref<1x400x64xf32, #tpu.memory_space<vmem>> -> memref<400x64xf32, #tpu.memory_space<vmem>>
      %dma_start3A_778 = arith.constant 0 : i32
      %dma_start3A_779 = tpu.memref_slice %arg4[%add3A_771, %dma_start3A_778] : memref<819200x64xf32, #tpu.memory_space<hbm>> -> memref<400x64xf32, #tpu.memory_space<hbm>>
      %dma_start3A_780 = tpu.memref_slice %arg12[%dma_start3A_773] : memref<4x!tpu.dma_semaphore, #tpu.memory_space<semaphore_mem>> -> memref<1x!tpu.dma_semaphore, #tpu.memory_space<semaphore_mem>>
      %dma_start3A_781 = tpu.memref_squeeze %dma_start3A_780 : memref<1x!tpu.dma_semaphore, #tpu.memory_space<semaphore_mem>> -> memref<!tpu.dma_semaphore, #tpu.memory_space<semaphore_mem>>
      %dma_start3A_782 = arith.constant 0 : i32
      %dma_start3A_783 = tpu.memref_slice %arg4[%add3A_771, %dma_start3A_782] : memref<819200x64xf32, #tpu.memory_space<hbm>> -> memref<400x64xf32, #tpu.memory_space<hbm>>
      %dma_start3A_784 = arith.constant 0 : i32
      %dma_start3A_785 = arith.constant 0 : i32
      %dma_start3A_786 = tpu.memref_slice %arg9[%dma_start3A_772, %dma_start3A_784, %dma_start3A_785] : memref<4x400x64xf32, #tpu.memory_space<vmem>> -> memref<1x400x64xf32, #tpu.memory_space<vmem>>
      %dma_start3A_787 = tpu.memref_squeeze %dma_start3A_786 : memref<1x400x64xf32, #tpu.memory_space<vmem>> -> memref<400x64xf32, #tpu.memory_space<vmem>>
      tpu.enqueue_dma source(%dma_start3A_787 : memref<400x64xf32, #tpu.memory_space<vmem>>) target(%dma_start3A_783 : memref<400x64xf32, #tpu.memory_space<hbm>>) target_semaphore(%dma_start3A_781 : memref<!tpu.dma_semaphore, #tpu.memory_space<semaphore_mem>>)
      %add3A_788 = arith.constant 4 : i32
      %add3A_789 = arith.addi %add3A_757, %add3A_788 : i32
      %mul3A_790 = arith.constant 400 : i32
      %mul3A_791 = arith.muli %add3A_789, %mul3A_790 : i32
      %add3A_792 = arith.addi %mul3A_2, %mul3A_791 : i32
      %dma_start3A_793 = arith.constant 2 : i32
      %dma_start3A_794 = tpu.memref_slice %arg2[%add3A_792] : memref<819200xi32, #tpu.memory_space<hbm>> -> memref<400xi32, #tpu.memory_space<hbm>>
      %dma_start3A_795 = tpu.memref_slice %arg10[%dma_start3A_793] : memref<4x!tpu.dma_semaphore, #tpu.memory_space<semaphore_mem>> -> memref<1x!tpu.dma_semaphore, #tpu.memory_space<semaphore_mem>>
      %dma_start3A_796 = tpu.memref_squeeze %dma_start3A_795 : memref<1x!tpu.dma_semaphore, #tpu.memory_space<semaphore_mem>> -> memref<!tpu.dma_semaphore, #tpu.memory_space<semaphore_mem>>
      %dma_start3A_797 = tpu.memref_slice %arg2[%add3A_792] : memref<819200xi32, #tpu.memory_space<hbm>> -> memref<400xi32, #tpu.memory_space<hbm>>
      tpu.enqueue_dma source(%dma_start3A_797 : memref<400xi32, #tpu.memory_space<hbm>>) target(%arg7 : memref<400xi32, #tpu.memory_space<vmem>>) target_semaphore(%dma_start3A_796 : memref<!tpu.dma_semaphore, #tpu.memory_space<semaphore_mem>>)
      %sub3A_798 = arith.constant 2 : i32
      %sub3A_799 = arith.subi %add3A_757, %sub3A_798 : i32
      %mul3A_800 = arith.constant 400 : i32
      %mul3A_801 = arith.muli %sub3A_799, %mul3A_800 : i32
      %add3A_802 = arith.addi %mul3A_2, %mul3A_801 : i32
      %dma_wait3A_803 = arith.constant 0 : i32
      %dma_wait3A_804 = arith.constant 0 : i32
      %dma_wait3A_805 = arith.constant 0 : i32
      %dma_wait3A_806 = arith.constant 0 : i32
      %dma_wait3A_807 = tpu.memref_slice %arg9[%dma_wait3A_803, %dma_wait3A_805, %dma_wait3A_806] : memref<4x400x64xf32, #tpu.memory_space<vmem>> -> memref<1x400x64xf32, #tpu.memory_space<vmem>>
      %dma_wait3A_808 = tpu.memref_squeeze %dma_wait3A_807 : memref<1x400x64xf32, #tpu.memory_space<vmem>> -> memref<400x64xf32, #tpu.memory_space<vmem>>
      %dma_wait3A_809 = arith.constant 0 : i32
      %dma_wait3A_810 = tpu.memref_slice %arg4[%add3A_802, %dma_wait3A_809] : memref<819200x64xf32, #tpu.memory_space<hbm>> -> memref<400x64xf32, #tpu.memory_space<hbm>>
      %dma_wait3A_811 = tpu.memref_slice %arg12[%dma_wait3A_804] : memref<4x!tpu.dma_semaphore, #tpu.memory_space<semaphore_mem>> -> memref<1x!tpu.dma_semaphore, #tpu.memory_space<semaphore_mem>>
      %dma_wait3A_812 = tpu.memref_squeeze %dma_wait3A_811 : memref<1x!tpu.dma_semaphore, #tpu.memory_space<semaphore_mem>> -> memref<!tpu.dma_semaphore, #tpu.memory_space<semaphore_mem>>
      %dma_wait3A_813 = arith.constant 0 : i32
      %dma_wait3A_814 = tpu.memref_slice %arg4[%add3A_802, %dma_wait3A_813] : memref<819200x64xf32, #tpu.memory_space<hbm>> -> memref<400x64xf32, #tpu.memory_space<hbm>>
      %dma_wait3A_815 = arith.constant 0 : i32
      %dma_wait3A_816 = arith.constant 0 : i32
      %dma_wait3A_817 = tpu.memref_slice %arg9[%dma_wait3A_803, %dma_wait3A_815, %dma_wait3A_816] : memref<4x400x64xf32, #tpu.memory_space<vmem>> -> memref<1x400x64xf32, #tpu.memory_space<vmem>>
      %dma_wait3A_818 = tpu.memref_squeeze %dma_wait3A_817 : memref<1x400x64xf32, #tpu.memory_space<vmem>> -> memref<400x64xf32, #tpu.memory_space<vmem>>
      tpu.wait_dma2 semaphore(%dma_wait3A_812 : memref<!tpu.dma_semaphore, #tpu.memory_space<semaphore_mem>>) src(%dma_wait3A_818 : memref<400x64xf32, #tpu.memory_space<vmem>>) dst(%dma_wait3A_814 : memref<400x64xf32, #tpu.memory_space<hbm>>)
      %add3A_819 = arith.constant 2 : i32
      %add3A_820 = arith.addi %add3A_757, %add3A_819 : i32
      %mul3A_821 = arith.constant 400 : i32
      %mul3A_822 = arith.muli %add3A_820, %mul3A_821 : i32
      %add3A_823 = arith.addi %mul3A_2, %mul3A_822 : i32
      %dma_wait3A_824 = arith.constant 0 : i32
      %dma_wait3A_825 = tpu.memref_slice %arg2[%add3A_823] : memref<819200xi32, #tpu.memory_space<hbm>> -> memref<400xi32, #tpu.memory_space<hbm>>
      %dma_wait3A_826 = tpu.memref_slice %arg10[%dma_wait3A_824] : memref<4x!tpu.dma_semaphore, #tpu.memory_space<semaphore_mem>> -> memref<1x!tpu.dma_semaphore, #tpu.memory_space<semaphore_mem>>
      %dma_wait3A_827 = tpu.memref_squeeze %dma_wait3A_826 : memref<1x!tpu.dma_semaphore, #tpu.memory_space<semaphore_mem>> -> memref<!tpu.dma_semaphore, #tpu.memory_space<semaphore_mem>>
      %dma_wait3A_828 = tpu.memref_slice %arg2[%add3A_823] : memref<819200xi32, #tpu.memory_space<hbm>> -> memref<400xi32, #tpu.memory_space<hbm>>
      tpu.wait_dma2 semaphore(%dma_wait3A_827 : memref<!tpu.dma_semaphore, #tpu.memory_space<semaphore_mem>>) src(%dma_wait3A_828 : memref<400xi32, #tpu.memory_space<hbm>>) dst(%arg5 : memref<400xi32, #tpu.memory_space<vmem>>)
      %dma_start3A_829 = arith.constant 0 : i32
      %dma_start3A_830 = arith.constant 0 : i32
      %dma_start3A_831 = arith.constant 0 : i32
      %dma_start3A_832 = arith.constant 0 : i32
      %dma_start3A_833 = tpu.memref_slice %arg9[%dma_start3A_829, %dma_start3A_831, %dma_start3A_832] : memref<4x400x64xf32, #tpu.memory_space<vmem>> -> memref<1x400x64xf32, #tpu.memory_space<vmem>>
      %dma_start3A_834 = tpu.memref_squeeze %dma_start3A_833 : memref<1x400x64xf32, #tpu.memory_space<vmem>> -> memref<400x64xf32, #tpu.memory_space<vmem>>
      %dma_start3A_835 = arith.constant 0 : i32
      %dma_start3A_836 = arith.constant 0 : i32
      %dma_start3A_837 = tpu.memref_slice %arg3[%dma_start3A_835, %dma_start3A_836] : memref<2000000x64xf32, #tpu.memory_space<hbm>> -> memref<2000000x64xf32, #tpu.memory_space<hbm>>
      %dma_start3A_838 = tpu.memref_slice %arg11[%dma_start3A_830] : memref<4x!tpu.dma_semaphore, #tpu.memory_space<semaphore_mem>> -> memref<1x!tpu.dma_semaphore, #tpu.memory_space<semaphore_mem>>
      %dma_start3A_839 = tpu.memref_squeeze %dma_start3A_838 : memref<1x!tpu.dma_semaphore, #tpu.memory_space<semaphore_mem>> -> memref<!tpu.dma_semaphore, #tpu.memory_space<semaphore_mem>>
      tpu.enqueue_indirect_dma source(%dma_start3A_837 : memref<2000000x64xf32, #tpu.memory_space<hbm>>) target(%dma_start3A_834 : memref<400x64xf32, #tpu.memory_space<vmem>>) offsets(%arg5 : memref<400xi32, #tpu.memory_space<vmem>>) semaphore(%dma_start3A_839 : memref<!tpu.dma_semaphore, #tpu.memory_space<semaphore_mem>>)
      %mul3A_840 = arith.constant 4 : i32
      %mul3A_841 = arith.muli %scan3A_582, %mul3A_840 : i32
      %add3A_842 = arith.constant 3 : i32
      %add3A_843 = arith.addi %mul3A_841, %add3A_842 : i32
      %dma_wait3A_844 = arith.constant 3 : i32
      %dma_wait3A_845 = arith.constant 3 : i32
      %dma_wait3A_846 = arith.constant 0 : i32
      %dma_wait3A_847 = arith.constant 0 : i32
      %dma_wait3A_848 = tpu.memref_slice %arg9[%dma_wait3A_844, %dma_wait3A_846, %dma_wait3A_847] : memref<4x400x64xf32, #tpu.memory_space<vmem>> -> memref<1x400x64xf32, #tpu.memory_space<vmem>>
      %dma_wait3A_849 = tpu.memref_squeeze %dma_wait3A_848 : memref<1x400x64xf32, #tpu.memory_space<vmem>> -> memref<400x64xf32, #tpu.memory_space<vmem>>
      %dma_wait3A_850 = arith.constant 0 : i32
      %dma_wait3A_851 = arith.constant 0 : i32
      %dma_wait3A_852 = tpu.memref_slice %arg3[%dma_wait3A_850, %dma_wait3A_851] : memref<2000000x64xf32, #tpu.memory_space<hbm>> -> memref<2000000x64xf32, #tpu.memory_space<hbm>>
      %dma_wait3A_853 = tpu.memref_slice %arg11[%dma_wait3A_845] : memref<4x!tpu.dma_semaphore, #tpu.memory_space<semaphore_mem>> -> memref<1x!tpu.dma_semaphore, #tpu.memory_space<semaphore_mem>>
      %dma_wait3A_854 = tpu.memref_squeeze %dma_wait3A_853 : memref<1x!tpu.dma_semaphore, #tpu.memory_space<semaphore_mem>> -> memref<!tpu.dma_semaphore, #tpu.memory_space<semaphore_mem>>
      tpu.wait_indirect_dma semaphore(%dma_wait3A_854 : memref<!tpu.dma_semaphore, #tpu.memory_space<semaphore_mem>>) src(%dma_wait3A_852 : memref<2000000x64xf32, #tpu.memory_space<hbm>>) dst(%dma_wait3A_849 : memref<400x64xf32, #tpu.memory_space<vmem>>)
      %mul3A_855 = arith.constant 400 : i32
      %mul3A_856 = arith.muli %add3A_843, %mul3A_855 : i32
      %add3A_857 = arith.addi %mul3A_2, %mul3A_856 : i32
      %dma_start3A_858 = arith.constant 3 : i32
      %dma_start3A_859 = arith.constant 3 : i32
      %dma_start3A_860 = arith.constant 0 : i32
      %dma_start3A_861 = arith.constant 0 : i32
      %dma_start3A_862 = tpu.memref_slice %arg9[%dma_start3A_858, %dma_start3A_860, %dma_start3A_861] : memref<4x400x64xf32, #tpu.memory_space<vmem>> -> memref<1x400x64xf32, #tpu.memory_space<vmem>>
      %dma_start3A_863 = tpu.memref_squeeze %dma_start3A_862 : memref<1x400x64xf32, #tpu.memory_space<vmem>> -> memref<400x64xf32, #tpu.memory_space<vmem>>
      %dma_start3A_864 = arith.constant 0 : i32
      %dma_start3A_865 = tpu.memref_slice %arg4[%add3A_857, %dma_start3A_864] : memref<819200x64xf32, #tpu.memory_space<hbm>> -> memref<400x64xf32, #tpu.memory_space<hbm>>
      %dma_start3A_866 = tpu.memref_slice %arg12[%dma_start3A_859] : memref<4x!tpu.dma_semaphore, #tpu.memory_space<semaphore_mem>> -> memref<1x!tpu.dma_semaphore, #tpu.memory_space<semaphore_mem>>
      %dma_start3A_867 = tpu.memref_squeeze %dma_start3A_866 : memref<1x!tpu.dma_semaphore, #tpu.memory_space<semaphore_mem>> -> memref<!tpu.dma_semaphore, #tpu.memory_space<semaphore_mem>>
      %dma_start3A_868 = arith.constant 0 : i32
      %dma_start3A_869 = tpu.memref_slice %arg4[%add3A_857, %dma_start3A_868] : memref<819200x64xf32, #tpu.memory_space<hbm>> -> memref<400x64xf32, #tpu.memory_space<hbm>>
      %dma_start3A_870 = arith.constant 0 : i32
      %dma_start3A_871 = arith.constant 0 : i32
      %dma_start3A_872 = tpu.memref_slice %arg9[%dma_start3A_858, %dma_start3A_870, %dma_start3A_871] : memref<4x400x64xf32, #tpu.memory_space<vmem>> -> memref<1x400x64xf32, #tpu.memory_space<vmem>>
      %dma_start3A_873 = tpu.memref_squeeze %dma_start3A_872 : memref<1x400x64xf32, #tpu.memory_space<vmem>> -> memref<400x64xf32, #tpu.memory_space<vmem>>
      tpu.enqueue_dma source(%dma_start3A_873 : memref<400x64xf32, #tpu.memory_space<vmem>>) target(%dma_start3A_869 : memref<400x64xf32, #tpu.memory_space<hbm>>) target_semaphore(%dma_start3A_867 : memref<!tpu.dma_semaphore, #tpu.memory_space<semaphore_mem>>)
      %add3A_874 = arith.constant 4 : i32
      %add3A_875 = arith.addi %add3A_843, %add3A_874 : i32
      %mul3A_876 = arith.constant 400 : i32
      %mul3A_877 = arith.muli %add3A_875, %mul3A_876 : i32
      %add3A_878 = arith.addi %mul3A_2, %mul3A_877 : i32
      %dma_start3A_879 = arith.constant 3 : i32
      %dma_start3A_880 = tpu.memref_slice %arg2[%add3A_878] : memref<819200xi32, #tpu.memory_space<hbm>> -> memref<400xi32, #tpu.memory_space<hbm>>
      %dma_start3A_881 = tpu.memref_slice %arg10[%dma_start3A_879] : memref<4x!tpu.dma_semaphore, #tpu.memory_space<semaphore_mem>> -> memref<1x!tpu.dma_semaphore, #tpu.memory_space<semaphore_mem>>
      %dma_start3A_882 = tpu.memref_squeeze %dma_start3A_881 : memref<1x!tpu.dma_semaphore, #tpu.memory_space<semaphore_mem>> -> memref<!tpu.dma_semaphore, #tpu.memory_space<semaphore_mem>>
      %dma_start3A_883 = tpu.memref_slice %arg2[%add3A_878] : memref<819200xi32, #tpu.memory_space<hbm>> -> memref<400xi32, #tpu.memory_space<hbm>>
      tpu.enqueue_dma source(%dma_start3A_883 : memref<400xi32, #tpu.memory_space<hbm>>) target(%arg8 : memref<400xi32, #tpu.memory_space<vmem>>) target_semaphore(%dma_start3A_882 : memref<!tpu.dma_semaphore, #tpu.memory_space<semaphore_mem>>)
      %sub3A_884 = arith.constant 2 : i32
      %sub3A_885 = arith.subi %add3A_843, %sub3A_884 : i32
      %mul3A_886 = arith.constant 400 : i32
      %mul3A_887 = arith.muli %sub3A_885, %mul3A_886 : i32
      %add3A_888 = arith.addi %mul3A_2, %mul3A_887 : i32
      %dma_wait3A_889 = arith.constant 1 : i32
      %dma_wait3A_890 = arith.constant 1 : i32
      %dma_wait3A_891 = arith.constant 0 : i32
      %dma_wait3A_892 = arith.constant 0 : i32
      %dma_wait3A_893 = tpu.memref_slice %arg9[%dma_wait3A_889, %dma_wait3A_891, %dma_wait3A_892] : memref<4x400x64xf32, #tpu.memory_space<vmem>> -> memref<1x400x64xf32, #tpu.memory_space<vmem>>
      %dma_wait3A_894 = tpu.memref_squeeze %dma_wait3A_893 : memref<1x400x64xf32, #tpu.memory_space<vmem>> -> memref<400x64xf32, #tpu.memory_space<vmem>>
      %dma_wait3A_895 = arith.constant 0 : i32
      %dma_wait3A_896 = tpu.memref_slice %arg4[%add3A_888, %dma_wait3A_895] : memref<819200x64xf32, #tpu.memory_space<hbm>> -> memref<400x64xf32, #tpu.memory_space<hbm>>
      %dma_wait3A_897 = tpu.memref_slice %arg12[%dma_wait3A_890] : memref<4x!tpu.dma_semaphore, #tpu.memory_space<semaphore_mem>> -> memref<1x!tpu.dma_semaphore, #tpu.memory_space<semaphore_mem>>
      %dma_wait3A_898 = tpu.memref_squeeze %dma_wait3A_897 : memref<1x!tpu.dma_semaphore, #tpu.memory_space<semaphore_mem>> -> memref<!tpu.dma_semaphore, #tpu.memory_space<semaphore_mem>>
      %dma_wait3A_899 = arith.constant 0 : i32
      %dma_wait3A_900 = tpu.memref_slice %arg4[%add3A_888, %dma_wait3A_899] : memref<819200x64xf32, #tpu.memory_space<hbm>> -> memref<400x64xf32, #tpu.memory_space<hbm>>
      %dma_wait3A_901 = arith.constant 0 : i32
      %dma_wait3A_902 = arith.constant 0 : i32
      %dma_wait3A_903 = tpu.memref_slice %arg9[%dma_wait3A_889, %dma_wait3A_901, %dma_wait3A_902] : memref<4x400x64xf32, #tpu.memory_space<vmem>> -> memref<1x400x64xf32, #tpu.memory_space<vmem>>
      %dma_wait3A_904 = tpu.memref_squeeze %dma_wait3A_903 : memref<1x400x64xf32, #tpu.memory_space<vmem>> -> memref<400x64xf32, #tpu.memory_space<vmem>>
      tpu.wait_dma2 semaphore(%dma_wait3A_898 : memref<!tpu.dma_semaphore, #tpu.memory_space<semaphore_mem>>) src(%dma_wait3A_904 : memref<400x64xf32, #tpu.memory_space<vmem>>) dst(%dma_wait3A_900 : memref<400x64xf32, #tpu.memory_space<hbm>>)
      %add3A_905 = arith.constant 2 : i32
      %add3A_906 = arith.addi %add3A_843, %add3A_905 : i32
      %mul3A_907 = arith.constant 400 : i32
      %mul3A_908 = arith.muli %add3A_906, %mul3A_907 : i32
      %add3A_909 = arith.addi %mul3A_2, %mul3A_908 : i32
      %dma_wait3A_910 = arith.constant 1 : i32
      %dma_wait3A_911 = tpu.memref_slice %arg2[%add3A_909] : memref<819200xi32, #tpu.memory_space<hbm>> -> memref<400xi32, #tpu.memory_space<hbm>>
      %dma_wait3A_912 = tpu.memref_slice %arg10[%dma_wait3A_910] : memref<4x!tpu.dma_semaphore, #tpu.memory_space<semaphore_mem>> -> memref<1x!tpu.dma_semaphore, #tpu.memory_space<semaphore_mem>>
      %dma_wait3A_913 = tpu.memref_squeeze %dma_wait3A_912 : memref<1x!tpu.dma_semaphore, #tpu.memory_space<semaphore_mem>> -> memref<!tpu.dma_semaphore, #tpu.memory_space<semaphore_mem>>
      %dma_wait3A_914 = tpu.memref_slice %arg2[%add3A_909] : memref<819200xi32, #tpu.memory_space<hbm>> -> memref<400xi32, #tpu.memory_space<hbm>>
      tpu.wait_dma2 semaphore(%dma_wait3A_913 : memref<!tpu.dma_semaphore, #tpu.memory_space<semaphore_mem>>) src(%dma_wait3A_914 : memref<400xi32, #tpu.memory_space<hbm>>) dst(%arg6 : memref<400xi32, #tpu.memory_space<vmem>>)
      %dma_start3A_915 = arith.constant 1 : i32
      %dma_start3A_916 = arith.constant 1 : i32
      %dma_start3A_917 = arith.constant 0 : i32
      %dma_start3A_918 = arith.constant 0 : i32
      %dma_start3A_919 = tpu.memref_slice %arg9[%dma_start3A_915, %dma_start3A_917, %dma_start3A_918] : memref<4x400x64xf32, #tpu.memory_space<vmem>> -> memref<1x400x64xf32, #tpu.memory_space<vmem>>
      %dma_start3A_920 = tpu.memref_squeeze %dma_start3A_919 : memref<1x400x64xf32, #tpu.memory_space<vmem>> -> memref<400x64xf32, #tpu.memory_space<vmem>>
      %dma_start3A_921 = arith.constant 0 : i32
      %dma_start3A_922 = arith.constant 0 : i32
      %dma_start3A_923 = tpu.memref_slice %arg3[%dma_start3A_921, %dma_start3A_922] : memref<2000000x64xf32, #tpu.memory_space<hbm>> -> memref<2000000x64xf32, #tpu.memory_space<hbm>>
      %dma_start3A_924 = tpu.memref_slice %arg11[%dma_start3A_916] : memref<4x!tpu.dma_semaphore, #tpu.memory_space<semaphore_mem>> -> memref<1x!tpu.dma_semaphore, #tpu.memory_space<semaphore_mem>>
      %dma_start3A_925 = tpu.memref_squeeze %dma_start3A_924 : memref<1x!tpu.dma_semaphore, #tpu.memory_space<semaphore_mem>> -> memref<!tpu.dma_semaphore, #tpu.memory_space<semaphore_mem>>
      tpu.enqueue_indirect_dma source(%dma_start3A_923 : memref<2000000x64xf32, #tpu.memory_space<hbm>>) target(%dma_start3A_920 : memref<400x64xf32, #tpu.memory_space<vmem>>) offsets(%arg6 : memref<400xi32, #tpu.memory_space<vmem>>) semaphore(%dma_start3A_925 : memref<!tpu.dma_semaphore, #tpu.memory_space<semaphore_mem>>)
    }
    %scan3A_321 = arith.constant 14 : i32
    %dma_wait3A_322 = arith.constant 0 : i32
    %dma_wait3A_323 = arith.constant 0 : i32
    %dma_wait3A_324 = arith.constant 0 : i32
    %dma_wait3A_325 = arith.constant 0 : i32
    %dma_wait3A_326 = tpu.memref_slice %arg9[%dma_wait3A_322, %dma_wait3A_324, %dma_wait3A_325] : memref<4x400x64xf32, #tpu.memory_space<vmem>> -> memref<1x400x64xf32, #tpu.memory_space<vmem>>
    %dma_wait3A_327 = tpu.memref_squeeze %dma_wait3A_326 : memref<1x400x64xf32, #tpu.memory_space<vmem>> -> memref<400x64xf32, #tpu.memory_space<vmem>>
    %dma_wait3A_328 = arith.constant 0 : i32
    %dma_wait3A_329 = arith.constant 0 : i32
    %dma_wait3A_330 = tpu.memref_slice %arg3[%dma_wait3A_328, %dma_wait3A_329] : memref<2000000x64xf32, #tpu.memory_space<hbm>> -> memref<2000000x64xf32, #tpu.memory_space<hbm>>
    %dma_wait3A_331 = tpu.memref_slice %arg11[%dma_wait3A_323] : memref<4x!tpu.dma_semaphore, #tpu.memory_space<semaphore_mem>> -> memref<1x!tpu.dma_semaphore, #tpu.memory_space<semaphore_mem>>
    %dma_wait3A_332 = tpu.memref_squeeze %dma_wait3A_331 : memref<1x!tpu.dma_semaphore, #tpu.memory_space<semaphore_mem>> -> memref<!tpu.dma_semaphore, #tpu.memory_space<semaphore_mem>>
    tpu.wait_indirect_dma semaphore(%dma_wait3A_332 : memref<!tpu.dma_semaphore, #tpu.memory_space<semaphore_mem>>) src(%dma_wait3A_330 : memref<2000000x64xf32, #tpu.memory_space<hbm>>) dst(%dma_wait3A_327 : memref<400x64xf32, #tpu.memory_space<vmem>>)
    %add3A_333 = arith.constant 24000 : i32
    %add3A_334 = arith.addi %mul3A_2, %add3A_333 : i32
    %dma_start3A_335 = arith.constant 0 : i32
    %dma_start3A_336 = arith.constant 0 : i32
    %dma_start3A_337 = arith.constant 0 : i32
    %dma_start3A_338 = arith.constant 0 : i32
    %dma_start3A_339 = tpu.memref_slice %arg9[%dma_start3A_335, %dma_start3A_337, %dma_start3A_338] : memref<4x400x64xf32, #tpu.memory_space<vmem>> -> memref<1x400x64xf32, #tpu.memory_space<vmem>>
    %dma_start3A_340 = tpu.memref_squeeze %dma_start3A_339 : memref<1x400x64xf32, #tpu.memory_space<vmem>> -> memref<400x64xf32, #tpu.memory_space<vmem>>
    %dma_start3A_341 = arith.constant 0 : i32
    %dma_start3A_342 = tpu.memref_slice %arg4[%add3A_334, %dma_start3A_341] : memref<819200x64xf32, #tpu.memory_space<hbm>> -> memref<400x64xf32, #tpu.memory_space<hbm>>
    %dma_start3A_343 = tpu.memref_slice %arg12[%dma_start3A_336] : memref<4x!tpu.dma_semaphore, #tpu.memory_space<semaphore_mem>> -> memref<1x!tpu.dma_semaphore, #tpu.memory_space<semaphore_mem>>
    %dma_start3A_344 = tpu.memref_squeeze %dma_start3A_343 : memref<1x!tpu.dma_semaphore, #tpu.memory_space<semaphore_mem>> -> memref<!tpu.dma_semaphore, #tpu.memory_space<semaphore_mem>>
    %dma_start3A_345 = arith.constant 0 : i32
    %dma_start3A_346 = tpu.memref_slice %arg4[%add3A_334, %dma_start3A_345] : memref<819200x64xf32, #tpu.memory_space<hbm>> -> memref<400x64xf32, #tpu.memory_space<hbm>>
    %dma_start3A_347 = arith.constant 0 : i32
    %dma_start3A_348 = arith.constant 0 : i32
    %dma_start3A_349 = tpu.memref_slice %arg9[%dma_start3A_335, %dma_start3A_347, %dma_start3A_348] : memref<4x400x64xf32, #tpu.memory_space<vmem>> -> memref<1x400x64xf32, #tpu.memory_space<vmem>>
    %dma_start3A_350 = tpu.memref_squeeze %dma_start3A_349 : memref<1x400x64xf32, #tpu.memory_space<vmem>> -> memref<400x64xf32, #tpu.memory_space<vmem>>
    tpu.enqueue_dma source(%dma_start3A_350 : memref<400x64xf32, #tpu.memory_space<vmem>>) target(%dma_start3A_346 : memref<400x64xf32, #tpu.memory_space<hbm>>) target_semaphore(%dma_start3A_344 : memref<!tpu.dma_semaphore, #tpu.memory_space<semaphore_mem>>)
    %add3A_351 = arith.constant 23200 : i32
    %add3A_352 = arith.addi %mul3A_2, %add3A_351 : i32
    %dma_wait3A_353 = arith.constant 2 : i32
    %dma_wait3A_354 = arith.constant 2 : i32
    %dma_wait3A_355 = arith.constant 0 : i32
    %dma_wait3A_356 = arith.constant 0 : i32
    %dma_wait3A_357 = tpu.memref_slice %arg9[%dma_wait3A_353, %dma_wait3A_355, %dma_wait3A_356] : memref<4x400x64xf32, #tpu.memory_space<vmem>> -> memref<1x400x64xf32, #tpu.memory_space<vmem>>
    %dma_wait3A_358 = tpu.memref_squeeze %dma_wait3A_357 : memref<1x400x64xf32, #tpu.memory_space<vmem>> -> memref<400x64xf32, #tpu.memory_space<vmem>>
    %dma_wait3A_359 = arith.constant 0 : i32
    %dma_wait3A_360 = tpu.memref_slice %arg4[%add3A_352, %dma_wait3A_359] : memref<819200x64xf32, #tpu.memory_space<hbm>> -> memref<400x64xf32, #tpu.memory_space<hbm>>
    %dma_wait3A_361 = tpu.memref_slice %arg12[%dma_wait3A_354] : memref<4x!tpu.dma_semaphore, #tpu.memory_space<semaphore_mem>> -> memref<1x!tpu.dma_semaphore, #tpu.memory_space<semaphore_mem>>
    %dma_wait3A_362 = tpu.memref_squeeze %dma_wait3A_361 : memref<1x!tpu.dma_semaphore, #tpu.memory_space<semaphore_mem>> -> memref<!tpu.dma_semaphore, #tpu.memory_space<semaphore_mem>>
    %dma_wait3A_363 = arith.constant 0 : i32
    %dma_wait3A_364 = tpu.memref_slice %arg4[%add3A_352, %dma_wait3A_363] : memref<819200x64xf32, #tpu.memory_space<hbm>> -> memref<400x64xf32, #tpu.memory_space<hbm>>
    %dma_wait3A_365 = arith.constant 0 : i32
    %dma_wait3A_366 = arith.constant 0 : i32
    %dma_wait3A_367 = tpu.memref_slice %arg9[%dma_wait3A_353, %dma_wait3A_365, %dma_wait3A_366] : memref<4x400x64xf32, #tpu.memory_space<vmem>> -> memref<1x400x64xf32, #tpu.memory_space<vmem>>
    %dma_wait3A_368 = tpu.memref_squeeze %dma_wait3A_367 : memref<1x400x64xf32, #tpu.memory_space<vmem>> -> memref<400x64xf32, #tpu.memory_space<vmem>>
    tpu.wait_dma2 semaphore(%dma_wait3A_362 : memref<!tpu.dma_semaphore, #tpu.memory_space<semaphore_mem>>) src(%dma_wait3A_368 : memref<400x64xf32, #tpu.memory_space<vmem>>) dst(%dma_wait3A_364 : memref<400x64xf32, #tpu.memory_space<hbm>>)
    %add3A_369 = arith.constant 24800 : i32
    %add3A_370 = arith.addi %mul3A_2, %add3A_369 : i32
    %dma_wait3A_371 = arith.constant 2 : i32
    %dma_wait3A_372 = tpu.memref_slice %arg2[%add3A_370] : memref<819200xi32, #tpu.memory_space<hbm>> -> memref<400xi32, #tpu.memory_space<hbm>>
    %dma_wait3A_373 = tpu.memref_slice %arg10[%dma_wait3A_371] : memref<4x!tpu.dma_semaphore, #tpu.memory_space<semaphore_mem>> -> memref<1x!tpu.dma_semaphore, #tpu.memory_space<semaphore_mem>>
    %dma_wait3A_374 = tpu.memref_squeeze %dma_wait3A_373 : memref<1x!tpu.dma_semaphore, #tpu.memory_space<semaphore_mem>> -> memref<!tpu.dma_semaphore, #tpu.memory_space<semaphore_mem>>
    %dma_wait3A_375 = tpu.memref_slice %arg2[%add3A_370] : memref<819200xi32, #tpu.memory_space<hbm>> -> memref<400xi32, #tpu.memory_space<hbm>>
    tpu.wait_dma2 semaphore(%dma_wait3A_374 : memref<!tpu.dma_semaphore, #tpu.memory_space<semaphore_mem>>) src(%dma_wait3A_375 : memref<400xi32, #tpu.memory_space<hbm>>) dst(%arg7 : memref<400xi32, #tpu.memory_space<vmem>>)
    %dma_start3A_376 = arith.constant 2 : i32
    %dma_start3A_377 = arith.constant 2 : i32
    %dma_start3A_378 = arith.constant 0 : i32
    %dma_start3A_379 = arith.constant 0 : i32
    %dma_start3A_380 = tpu.memref_slice %arg9[%dma_start3A_376, %dma_start3A_378, %dma_start3A_379] : memref<4x400x64xf32, #tpu.memory_space<vmem>> -> memref<1x400x64xf32, #tpu.memory_space<vmem>>
    %dma_start3A_381 = tpu.memref_squeeze %dma_start3A_380 : memref<1x400x64xf32, #tpu.memory_space<vmem>> -> memref<400x64xf32, #tpu.memory_space<vmem>>
    %dma_start3A_382 = arith.constant 0 : i32
    %dma_start3A_383 = arith.constant 0 : i32
    %dma_start3A_384 = tpu.memref_slice %arg3[%dma_start3A_382, %dma_start3A_383] : memref<2000000x64xf32, #tpu.memory_space<hbm>> -> memref<2000000x64xf32, #tpu.memory_space<hbm>>
    %dma_start3A_385 = tpu.memref_slice %arg11[%dma_start3A_377] : memref<4x!tpu.dma_semaphore, #tpu.memory_space<semaphore_mem>> -> memref<1x!tpu.dma_semaphore, #tpu.memory_space<semaphore_mem>>
    %dma_start3A_386 = tpu.memref_squeeze %dma_start3A_385 : memref<1x!tpu.dma_semaphore, #tpu.memory_space<semaphore_mem>> -> memref<!tpu.dma_semaphore, #tpu.memory_space<semaphore_mem>>
    tpu.enqueue_indirect_dma source(%dma_start3A_384 : memref<2000000x64xf32, #tpu.memory_space<hbm>>) target(%dma_start3A_381 : memref<400x64xf32, #tpu.memory_space<vmem>>) offsets(%arg7 : memref<400xi32, #tpu.memory_space<vmem>>) semaphore(%dma_start3A_386 : memref<!tpu.dma_semaphore, #tpu.memory_space<semaphore_mem>>)
    %dma_wait3A_387 = arith.constant 1 : i32
    %dma_wait3A_388 = arith.constant 1 : i32
    %dma_wait3A_389 = arith.constant 0 : i32
    %dma_wait3A_390 = arith.constant 0 : i32
    %dma_wait3A_391 = tpu.memref_slice %arg9[%dma_wait3A_387, %dma_wait3A_389, %dma_wait3A_390] : memref<4x400x64xf32, #tpu.memory_space<vmem>> -> memref<1x400x64xf32, #tpu.memory_space<vmem>>
    %dma_wait3A_392 = tpu.memref_squeeze %dma_wait3A_391 : memref<1x400x64xf32, #tpu.memory_space<vmem>> -> memref<400x64xf32, #tpu.memory_space<vmem>>
    %dma_wait3A_393 = arith.constant 0 : i32
    %dma_wait3A_394 = arith.constant 0 : i32
    %dma_wait3A_395 = tpu.memref_slice %arg3[%dma_wait3A_393, %dma_wait3A_394] : memref<2000000x64xf32, #tpu.memory_space<hbm>> -> memref<2000000x64xf32, #tpu.memory_space<hbm>>
    %dma_wait3A_396 = tpu.memref_slice %arg11[%dma_wait3A_388] : memref<4x!tpu.dma_semaphore, #tpu.memory_space<semaphore_mem>> -> memref<1x!tpu.dma_semaphore, #tpu.memory_space<semaphore_mem>>
    %dma_wait3A_397 = tpu.memref_squeeze %dma_wait3A_396 : memref<1x!tpu.dma_semaphore, #tpu.memory_space<semaphore_mem>> -> memref<!tpu.dma_semaphore, #tpu.memory_space<semaphore_mem>>
    tpu.wait_indirect_dma semaphore(%dma_wait3A_397 : memref<!tpu.dma_semaphore, #tpu.memory_space<semaphore_mem>>) src(%dma_wait3A_395 : memref<2000000x64xf32, #tpu.memory_space<hbm>>) dst(%dma_wait3A_392 : memref<400x64xf32, #tpu.memory_space<vmem>>)
    %add3A_398 = arith.constant 24400 : i32
    %add3A_399 = arith.addi %mul3A_2, %add3A_398 : i32
    %dma_start3A_400 = arith.constant 1 : i32
    %dma_start3A_401 = arith.constant 1 : i32
    %dma_start3A_402 = arith.constant 0 : i32
    %dma_start3A_403 = arith.constant 0 : i32
    %dma_start3A_404 = tpu.memref_slice %arg9[%dma_start3A_400, %dma_start3A_402, %dma_start3A_403] : memref<4x400x64xf32, #tpu.memory_space<vmem>> -> memref<1x400x64xf32, #tpu.memory_space<vmem>>
    %dma_start3A_405 = tpu.memref_squeeze %dma_start3A_404 : memref<1x400x64xf32, #tpu.memory_space<vmem>> -> memref<400x64xf32, #tpu.memory_space<vmem>>
    %dma_start3A_406 = arith.constant 0 : i32
    %dma_start3A_407 = tpu.memref_slice %arg4[%add3A_399, %dma_start3A_406] : memref<819200x64xf32, #tpu.memory_space<hbm>> -> memref<400x64xf32, #tpu.memory_space<hbm>>
    %dma_start3A_408 = tpu.memref_slice %arg12[%dma_start3A_401] : memref<4x!tpu.dma_semaphore, #tpu.memory_space<semaphore_mem>> -> memref<1x!tpu.dma_semaphore, #tpu.memory_space<semaphore_mem>>
    %dma_start3A_409 = tpu.memref_squeeze %dma_start3A_408 : memref<1x!tpu.dma_semaphore, #tpu.memory_space<semaphore_mem>> -> memref<!tpu.dma_semaphore, #tpu.memory_space<semaphore_mem>>
    %dma_start3A_410 = arith.constant 0 : i32
    %dma_start3A_411 = tpu.memref_slice %arg4[%add3A_399, %dma_start3A_410] : memref<819200x64xf32, #tpu.memory_space<hbm>> -> memref<400x64xf32, #tpu.memory_space<hbm>>
    %dma_start3A_412 = arith.constant 0 : i32
    %dma_start3A_413 = arith.constant 0 : i32
    %dma_start3A_414 = tpu.memref_slice %arg9[%dma_start3A_400, %dma_start3A_412, %dma_start3A_413] : memref<4x400x64xf32, #tpu.memory_space<vmem>> -> memref<1x400x64xf32, #tpu.memory_space<vmem>>
    %dma_start3A_415 = tpu.memref_squeeze %dma_start3A_414 : memref<1x400x64xf32, #tpu.memory_space<vmem>> -> memref<400x64xf32, #tpu.memory_space<vmem>>
    tpu.enqueue_dma source(%dma_start3A_415 : memref<400x64xf32, #tpu.memory_space<vmem>>) target(%dma_start3A_411 : memref<400x64xf32, #tpu.memory_space<hbm>>) target_semaphore(%dma_start3A_409 : memref<!tpu.dma_semaphore, #tpu.memory_space<semaphore_mem>>)
    %add3A_416 = arith.constant 23600 : i32
    %add3A_417 = arith.addi %mul3A_2, %add3A_416 : i32
    %dma_wait3A_418 = arith.constant 3 : i32
    %dma_wait3A_419 = arith.constant 3 : i32
    %dma_wait3A_420 = arith.constant 0 : i32
    %dma_wait3A_421 = arith.constant 0 : i32
    %dma_wait3A_422 = tpu.memref_slice %arg9[%dma_wait3A_418, %dma_wait3A_420, %dma_wait3A_421] : memref<4x400x64xf32, #tpu.memory_space<vmem>> -> memref<1x400x64xf32, #tpu.memory_space<vmem>>
    %dma_wait3A_423 = tpu.memref_squeeze %dma_wait3A_422 : memref<1x400x64xf32, #tpu.memory_space<vmem>> -> memref<400x64xf32, #tpu.memory_space<vmem>>
    %dma_wait3A_424 = arith.constant 0 : i32
    %dma_wait3A_425 = tpu.memref_slice %arg4[%add3A_417, %dma_wait3A_424] : memref<819200x64xf32, #tpu.memory_space<hbm>> -> memref<400x64xf32, #tpu.memory_space<hbm>>
    %dma_wait3A_426 = tpu.memref_slice %arg12[%dma_wait3A_419] : memref<4x!tpu.dma_semaphore, #tpu.memory_space<semaphore_mem>> -> memref<1x!tpu.dma_semaphore, #tpu.memory_space<semaphore_mem>>
    %dma_wait3A_427 = tpu.memref_squeeze %dma_wait3A_426 : memref<1x!tpu.dma_semaphore, #tpu.memory_space<semaphore_mem>> -> memref<!tpu.dma_semaphore, #tpu.memory_space<semaphore_mem>>
    %dma_wait3A_428 = arith.constant 0 : i32
    %dma_wait3A_429 = tpu.memref_slice %arg4[%add3A_417, %dma_wait3A_428] : memref<819200x64xf32, #tpu.memory_space<hbm>> -> memref<400x64xf32, #tpu.memory_space<hbm>>
    %dma_wait3A_430 = arith.constant 0 : i32
    %dma_wait3A_431 = arith.constant 0 : i32
    %dma_wait3A_432 = tpu.memref_slice %arg9[%dma_wait3A_418, %dma_wait3A_430, %dma_wait3A_431] : memref<4x400x64xf32, #tpu.memory_space<vmem>> -> memref<1x400x64xf32, #tpu.memory_space<vmem>>
    %dma_wait3A_433 = tpu.memref_squeeze %dma_wait3A_432 : memref<1x400x64xf32, #tpu.memory_space<vmem>> -> memref<400x64xf32, #tpu.memory_space<vmem>>
    tpu.wait_dma2 semaphore(%dma_wait3A_427 : memref<!tpu.dma_semaphore, #tpu.memory_space<semaphore_mem>>) src(%dma_wait3A_433 : memref<400x64xf32, #tpu.memory_space<vmem>>) dst(%dma_wait3A_429 : memref<400x64xf32, #tpu.memory_space<hbm>>)
    %add3A_434 = arith.constant 25200 : i32
    %add3A_435 = arith.addi %mul3A_2, %add3A_434 : i32
    %dma_wait3A_436 = arith.constant 3 : i32
    %dma_wait3A_437 = tpu.memref_slice %arg2[%add3A_435] : memref<819200xi32, #tpu.memory_space<hbm>> -> memref<400xi32, #tpu.memory_space<hbm>>
    %dma_wait3A_438 = tpu.memref_slice %arg10[%dma_wait3A_436] : memref<4x!tpu.dma_semaphore, #tpu.memory_space<semaphore_mem>> -> memref<1x!tpu.dma_semaphore, #tpu.memory_space<semaphore_mem>>
    %dma_wait3A_439 = tpu.memref_squeeze %dma_wait3A_438 : memref<1x!tpu.dma_semaphore, #tpu.memory_space<semaphore_mem>> -> memref<!tpu.dma_semaphore, #tpu.memory_space<semaphore_mem>>
    %dma_wait3A_440 = tpu.memref_slice %arg2[%add3A_435] : memref<819200xi32, #tpu.memory_space<hbm>> -> memref<400xi32, #tpu.memory_space<hbm>>
    tpu.wait_dma2 semaphore(%dma_wait3A_439 : memref<!tpu.dma_semaphore, #tpu.memory_space<semaphore_mem>>) src(%dma_wait3A_440 : memref<400xi32, #tpu.memory_space<hbm>>) dst(%arg8 : memref<400xi32, #tpu.memory_space<vmem>>)
    %dma_start3A_441 = arith.constant 3 : i32
    %dma_start3A_442 = arith.constant 3 : i32
    %dma_start3A_443 = arith.constant 0 : i32
    %dma_start3A_444 = arith.constant 0 : i32
    %dma_start3A_445 = tpu.memref_slice %arg9[%dma_start3A_441, %dma_start3A_443, %dma_start3A_444] : memref<4x400x64xf32, #tpu.memory_space<vmem>> -> memref<1x400x64xf32, #tpu.memory_space<vmem>>
    %dma_start3A_446 = tpu.memref_squeeze %dma_start3A_445 : memref<1x400x64xf32, #tpu.memory_space<vmem>> -> memref<400x64xf32, #tpu.memory_space<vmem>>
    %dma_start3A_447 = arith.constant 0 : i32
    %dma_start3A_448 = arith.constant 0 : i32
    %dma_start3A_449 = tpu.memref_slice %arg3[%dma_start3A_447, %dma_start3A_448] : memref<2000000x64xf32, #tpu.memory_space<hbm>> -> memref<2000000x64xf32, #tpu.memory_space<hbm>>
    %dma_start3A_450 = tpu.memref_slice %arg11[%dma_start3A_442] : memref<4x!tpu.dma_semaphore, #tpu.memory_space<semaphore_mem>> -> memref<1x!tpu.dma_semaphore, #tpu.memory_space<semaphore_mem>>
    %dma_start3A_451 = tpu.memref_squeeze %dma_start3A_450 : memref<1x!tpu.dma_semaphore, #tpu.memory_space<semaphore_mem>> -> memref<!tpu.dma_semaphore, #tpu.memory_space<semaphore_mem>>
    tpu.enqueue_indirect_dma source(%dma_start3A_449 : memref<2000000x64xf32, #tpu.memory_space<hbm>>) target(%dma_start3A_446 : memref<400x64xf32, #tpu.memory_space<vmem>>) offsets(%arg8 : memref<400xi32, #tpu.memory_space<vmem>>) semaphore(%dma_start3A_451 : memref<!tpu.dma_semaphore, #tpu.memory_space<semaphore_mem>>)
    %dma_wait3A_452 = arith.constant 2 : i32
    %dma_wait3A_453 = arith.constant 2 : i32
    %dma_wait3A_454 = arith.constant 0 : i32
    %dma_wait3A_455 = arith.constant 0 : i32
    %dma_wait3A_456 = tpu.memref_slice %arg9[%dma_wait3A_452, %dma_wait3A_454, %dma_wait3A_455] : memref<4x400x64xf32, #tpu.memory_space<vmem>> -> memref<1x400x64xf32, #tpu.memory_space<vmem>>
    %dma_wait3A_457 = tpu.memref_squeeze %dma_wait3A_456 : memref<1x400x64xf32, #tpu.memory_space<vmem>> -> memref<400x64xf32, #tpu.memory_space<vmem>>
    %dma_wait3A_458 = arith.constant 0 : i32
    %dma_wait3A_459 = arith.constant 0 : i32
    %dma_wait3A_460 = tpu.memref_slice %arg3[%dma_wait3A_458, %dma_wait3A_459] : memref<2000000x64xf32, #tpu.memory_space<hbm>> -> memref<2000000x64xf32, #tpu.memory_space<hbm>>
    %dma_wait3A_461 = tpu.memref_slice %arg11[%dma_wait3A_453] : memref<4x!tpu.dma_semaphore, #tpu.memory_space<semaphore_mem>> -> memref<1x!tpu.dma_semaphore, #tpu.memory_space<semaphore_mem>>
    %dma_wait3A_462 = tpu.memref_squeeze %dma_wait3A_461 : memref<1x!tpu.dma_semaphore, #tpu.memory_space<semaphore_mem>> -> memref<!tpu.dma_semaphore, #tpu.memory_space<semaphore_mem>>
    tpu.wait_indirect_dma semaphore(%dma_wait3A_462 : memref<!tpu.dma_semaphore, #tpu.memory_space<semaphore_mem>>) src(%dma_wait3A_460 : memref<2000000x64xf32, #tpu.memory_space<hbm>>) dst(%dma_wait3A_457 : memref<400x64xf32, #tpu.memory_space<vmem>>)
    %add3A_463 = arith.constant 24800 : i32
    %add3A_464 = arith.addi %mul3A_2, %add3A_463 : i32
    %dma_start3A_465 = arith.constant 2 : i32
    %dma_start3A_466 = arith.constant 2 : i32
    %dma_start3A_467 = arith.constant 0 : i32
    %dma_start3A_468 = arith.constant 0 : i32
    %dma_start3A_469 = tpu.memref_slice %arg9[%dma_start3A_465, %dma_start3A_467, %dma_start3A_468] : memref<4x400x64xf32, #tpu.memory_space<vmem>> -> memref<1x400x64xf32, #tpu.memory_space<vmem>>
    %dma_start3A_470 = tpu.memref_squeeze %dma_start3A_469 : memref<1x400x64xf32, #tpu.memory_space<vmem>> -> memref<400x64xf32, #tpu.memory_space<vmem>>
    %dma_start3A_471 = arith.constant 0 : i32
    %dma_start3A_472 = tpu.memref_slice %arg4[%add3A_464, %dma_start3A_471] : memref<819200x64xf32, #tpu.memory_space<hbm>> -> memref<400x64xf32, #tpu.memory_space<hbm>>
    %dma_start3A_473 = tpu.memref_slice %arg12[%dma_start3A_466] : memref<4x!tpu.dma_semaphore, #tpu.memory_space<semaphore_mem>> -> memref<1x!tpu.dma_semaphore, #tpu.memory_space<semaphore_mem>>
    %dma_start3A_474 = tpu.memref_squeeze %dma_start3A_473 : memref<1x!tpu.dma_semaphore, #tpu.memory_space<semaphore_mem>> -> memref<!tpu.dma_semaphore, #tpu.memory_space<semaphore_mem>>
    %dma_start3A_475 = arith.constant 0 : i32
    %dma_start3A_476 = tpu.memref_slice %arg4[%add3A_464, %dma_start3A_475] : memref<819200x64xf32, #tpu.memory_space<hbm>> -> memref<400x64xf32, #tpu.memory_space<hbm>>
    %dma_start3A_477 = arith.constant 0 : i32
    %dma_start3A_478 = arith.constant 0 : i32
    %dma_start3A_479 = tpu.memref_slice %arg9[%dma_start3A_465, %dma_start3A_477, %dma_start3A_478] : memref<4x400x64xf32, #tpu.memory_space<vmem>> -> memref<1x400x64xf32, #tpu.memory_space<vmem>>
    %dma_start3A_480 = tpu.memref_squeeze %dma_start3A_479 : memref<1x400x64xf32, #tpu.memory_space<vmem>> -> memref<400x64xf32, #tpu.memory_space<vmem>>
    tpu.enqueue_dma source(%dma_start3A_480 : memref<400x64xf32, #tpu.memory_space<vmem>>) target(%dma_start3A_476 : memref<400x64xf32, #tpu.memory_space<hbm>>) target_semaphore(%dma_start3A_474 : memref<!tpu.dma_semaphore, #tpu.memory_space<semaphore_mem>>)
    %add3A_481 = arith.constant 24000 : i32
    %add3A_482 = arith.addi %mul3A_2, %add3A_481 : i32
    %dma_wait3A_483 = arith.constant 0 : i32
    %dma_wait3A_484 = arith.constant 0 : i32
    %dma_wait3A_485 = arith.constant 0 : i32
    %dma_wait3A_486 = arith.constant 0 : i32
    %dma_wait3A_487 = tpu.memref_slice %arg9[%dma_wait3A_483, %dma_wait3A_485, %dma_wait3A_486] : memref<4x400x64xf32, #tpu.memory_space<vmem>> -> memref<1x400x64xf32, #tpu.memory_space<vmem>>
    %dma_wait3A_488 = tpu.memref_squeeze %dma_wait3A_487 : memref<1x400x64xf32, #tpu.memory_space<vmem>> -> memref<400x64xf32, #tpu.memory_space<vmem>>
    %dma_wait3A_489 = arith.constant 0 : i32
    %dma_wait3A_490 = tpu.memref_slice %arg4[%add3A_482, %dma_wait3A_489] : memref<819200x64xf32, #tpu.memory_space<hbm>> -> memref<400x64xf32, #tpu.memory_space<hbm>>
    %dma_wait3A_491 = tpu.memref_slice %arg12[%dma_wait3A_484] : memref<4x!tpu.dma_semaphore, #tpu.memory_space<semaphore_mem>> -> memref<1x!tpu.dma_semaphore, #tpu.memory_space<semaphore_mem>>
    %dma_wait3A_492 = tpu.memref_squeeze %dma_wait3A_491 : memref<1x!tpu.dma_semaphore, #tpu.memory_space<semaphore_mem>> -> memref<!tpu.dma_semaphore, #tpu.memory_space<semaphore_mem>>
    %dma_wait3A_493 = arith.constant 0 : i32
    %dma_wait3A_494 = tpu.memref_slice %arg4[%add3A_482, %dma_wait3A_493] : memref<819200x64xf32, #tpu.memory_space<hbm>> -> memref<400x64xf32, #tpu.memory_space<hbm>>
    %dma_wait3A_495 = arith.constant 0 : i32
    %dma_wait3A_496 = arith.constant 0 : i32
    %dma_wait3A_497 = tpu.memref_slice %arg9[%dma_wait3A_483, %dma_wait3A_495, %dma_wait3A_496] : memref<4x400x64xf32, #tpu.memory_space<vmem>> -> memref<1x400x64xf32, #tpu.memory_space<vmem>>
    %dma_wait3A_498 = tpu.memref_squeeze %dma_wait3A_497 : memref<1x400x64xf32, #tpu.memory_space<vmem>> -> memref<400x64xf32, #tpu.memory_space<vmem>>
    tpu.wait_dma2 semaphore(%dma_wait3A_492 : memref<!tpu.dma_semaphore, #tpu.memory_space<semaphore_mem>>) src(%dma_wait3A_498 : memref<400x64xf32, #tpu.memory_space<vmem>>) dst(%dma_wait3A_494 : memref<400x64xf32, #tpu.memory_space<hbm>>)
    %dma_wait3A_499 = arith.constant 3 : i32
    %dma_wait3A_500 = arith.constant 3 : i32
    %dma_wait3A_501 = arith.constant 0 : i32
    %dma_wait3A_502 = arith.constant 0 : i32
    %dma_wait3A_503 = tpu.memref_slice %arg9[%dma_wait3A_499, %dma_wait3A_501, %dma_wait3A_502] : memref<4x400x64xf32, #tpu.memory_space<vmem>> -> memref<1x400x64xf32, #tpu.memory_space<vmem>>
    %dma_wait3A_504 = tpu.memref_squeeze %dma_wait3A_503 : memref<1x400x64xf32, #tpu.memory_space<vmem>> -> memref<400x64xf32, #tpu.memory_space<vmem>>
    %dma_wait3A_505 = arith.constant 0 : i32
    %dma_wait3A_506 = arith.constant 0 : i32
    %dma_wait3A_507 = tpu.memref_slice %arg3[%dma_wait3A_505, %dma_wait3A_506] : memref<2000000x64xf32, #tpu.memory_space<hbm>> -> memref<2000000x64xf32, #tpu.memory_space<hbm>>
    %dma_wait3A_508 = tpu.memref_slice %arg11[%dma_wait3A_500] : memref<4x!tpu.dma_semaphore, #tpu.memory_space<semaphore_mem>> -> memref<1x!tpu.dma_semaphore, #tpu.memory_space<semaphore_mem>>
    %dma_wait3A_509 = tpu.memref_squeeze %dma_wait3A_508 : memref<1x!tpu.dma_semaphore, #tpu.memory_space<semaphore_mem>> -> memref<!tpu.dma_semaphore, #tpu.memory_space<semaphore_mem>>
    tpu.wait_indirect_dma semaphore(%dma_wait3A_509 : memref<!tpu.dma_semaphore, #tpu.memory_space<semaphore_mem>>) src(%dma_wait3A_507 : memref<2000000x64xf32, #tpu.memory_space<hbm>>) dst(%dma_wait3A_504 : memref<400x64xf32, #tpu.memory_space<vmem>>)
    %add3A_510 = arith.constant 25200 : i32
    %add3A_511 = arith.addi %mul3A_2, %add3A_510 : i32
    %dma_start3A_512 = arith.constant 3 : i32
    %dma_start3A_513 = arith.constant 3 : i32
    %dma_start3A_514 = arith.constant 0 : i32
    %dma_start3A_515 = arith.constant 0 : i32
    %dma_start3A_516 = tpu.memref_slice %arg9[%dma_start3A_512, %dma_start3A_514, %dma_start3A_515] : memref<4x400x64xf32, #tpu.memory_space<vmem>> -> memref<1x400x64xf32, #tpu.memory_space<vmem>>
    %dma_start3A_517 = tpu.memref_squeeze %dma_start3A_516 : memref<1x400x64xf32, #tpu.memory_space<vmem>> -> memref<400x64xf32, #tpu.memory_space<vmem>>
    %dma_start3A_518 = arith.constant 0 : i32
    %dma_start3A_519 = tpu.memref_slice %arg4[%add3A_511, %dma_start3A_518] : memref<819200x64xf32, #tpu.memory_space<hbm>> -> memref<400x64xf32, #tpu.memory_space<hbm>>
    %dma_start3A_520 = tpu.memref_slice %arg12[%dma_start3A_513] : memref<4x!tpu.dma_semaphore, #tpu.memory_space<semaphore_mem>> -> memref<1x!tpu.dma_semaphore, #tpu.memory_space<semaphore_mem>>
    %dma_start3A_521 = tpu.memref_squeeze %dma_start3A_520 : memref<1x!tpu.dma_semaphore, #tpu.memory_space<semaphore_mem>> -> memref<!tpu.dma_semaphore, #tpu.memory_space<semaphore_mem>>
    %dma_start3A_522 = arith.constant 0 : i32
    %dma_start3A_523 = tpu.memref_slice %arg4[%add3A_511, %dma_start3A_522] : memref<819200x64xf32, #tpu.memory_space<hbm>> -> memref<400x64xf32, #tpu.memory_space<hbm>>
    %dma_start3A_524 = arith.constant 0 : i32
    %dma_start3A_525 = arith.constant 0 : i32
    %dma_start3A_526 = tpu.memref_slice %arg9[%dma_start3A_512, %dma_start3A_524, %dma_start3A_525] : memref<4x400x64xf32, #tpu.memory_space<vmem>> -> memref<1x400x64xf32, #tpu.memory_space<vmem>>
    %dma_start3A_527 = tpu.memref_squeeze %dma_start3A_526 : memref<1x400x64xf32, #tpu.memory_space<vmem>> -> memref<400x64xf32, #tpu.memory_space<vmem>>
    tpu.enqueue_dma source(%dma_start3A_527 : memref<400x64xf32, #tpu.memory_space<vmem>>) target(%dma_start3A_523 : memref<400x64xf32, #tpu.memory_space<hbm>>) target_semaphore(%dma_start3A_521 : memref<!tpu.dma_semaphore, #tpu.memory_space<semaphore_mem>>)
    %add3A_528 = arith.constant 24400 : i32
    %add3A_529 = arith.addi %mul3A_2, %add3A_528 : i32
    %dma_wait3A_530 = arith.constant 1 : i32
    %dma_wait3A_531 = arith.constant 1 : i32
    %dma_wait3A_532 = arith.constant 0 : i32
    %dma_wait3A_533 = arith.constant 0 : i32
    %dma_wait3A_534 = tpu.memref_slice %arg9[%dma_wait3A_530, %dma_wait3A_532, %dma_wait3A_533] : memref<4x400x64xf32, #tpu.memory_space<vmem>> -> memref<1x400x64xf32, #tpu.memory_space<vmem>>
    %dma_wait3A_535 = tpu.memref_squeeze %dma_wait3A_534 : memref<1x400x64xf32, #tpu.memory_space<vmem>> -> memref<400x64xf32, #tpu.memory_space<vmem>>
    %dma_wait3A_536 = arith.constant 0 : i32
    %dma_wait3A_537 = tpu.memref_slice %arg4[%add3A_529, %dma_wait3A_536] : memref<819200x64xf32, #tpu.memory_space<hbm>> -> memref<400x64xf32, #tpu.memory_space<hbm>>
    %dma_wait3A_538 = tpu.memref_slice %arg12[%dma_wait3A_531] : memref<4x!tpu.dma_semaphore, #tpu.memory_space<semaphore_mem>> -> memref<1x!tpu.dma_semaphore, #tpu.memory_space<semaphore_mem>>
    %dma_wait3A_539 = tpu.memref_squeeze %dma_wait3A_538 : memref<1x!tpu.dma_semaphore, #tpu.memory_space<semaphore_mem>> -> memref<!tpu.dma_semaphore, #tpu.memory_space<semaphore_mem>>
    %dma_wait3A_540 = arith.constant 0 : i32
    %dma_wait3A_541 = tpu.memref_slice %arg4[%add3A_529, %dma_wait3A_540] : memref<819200x64xf32, #tpu.memory_space<hbm>> -> memref<400x64xf32, #tpu.memory_space<hbm>>
    %dma_wait3A_542 = arith.constant 0 : i32
    %dma_wait3A_543 = arith.constant 0 : i32
    %dma_wait3A_544 = tpu.memref_slice %arg9[%dma_wait3A_530, %dma_wait3A_542, %dma_wait3A_543] : memref<4x400x64xf32, #tpu.memory_space<vmem>> -> memref<1x400x64xf32, #tpu.memory_space<vmem>>
    %dma_wait3A_545 = tpu.memref_squeeze %dma_wait3A_544 : memref<1x400x64xf32, #tpu.memory_space<vmem>> -> memref<400x64xf32, #tpu.memory_space<vmem>>
    tpu.wait_dma2 semaphore(%dma_wait3A_539 : memref<!tpu.dma_semaphore, #tpu.memory_space<semaphore_mem>>) src(%dma_wait3A_545 : memref<400x64xf32, #tpu.memory_space<vmem>>) dst(%dma_wait3A_541 : memref<400x64xf32, #tpu.memory_space<hbm>>)
    %add3A_546 = arith.constant 24800 : i32
    %add3A_547 = arith.addi %mul3A_2, %add3A_546 : i32
    %dma_wait3A_548 = arith.constant 2 : i32
    %dma_wait3A_549 = arith.constant 2 : i32
    %dma_wait3A_550 = arith.constant 0 : i32
    %dma_wait3A_551 = arith.constant 0 : i32
    %dma_wait3A_552 = tpu.memref_slice %arg9[%dma_wait3A_548, %dma_wait3A_550, %dma_wait3A_551] : memref<4x400x64xf32, #tpu.memory_space<vmem>> -> memref<1x400x64xf32, #tpu.memory_space<vmem>>
    %dma_wait3A_553 = tpu.memref_squeeze %dma_wait3A_552 : memref<1x400x64xf32, #tpu.memory_space<vmem>> -> memref<400x64xf32, #tpu.memory_space<vmem>>
    %dma_wait3A_554 = arith.constant 0 : i32
    %dma_wait3A_555 = tpu.memref_slice %arg4[%add3A_547, %dma_wait3A_554] : memref<819200x64xf32, #tpu.memory_space<hbm>> -> memref<400x64xf32, #tpu.memory_space<hbm>>
    %dma_wait3A_556 = tpu.memref_slice %arg12[%dma_wait3A_549] : memref<4x!tpu.dma_semaphore, #tpu.memory_space<semaphore_mem>> -> memref<1x!tpu.dma_semaphore, #tpu.memory_space<semaphore_mem>>
    %dma_wait3A_557 = tpu.memref_squeeze %dma_wait3A_556 : memref<1x!tpu.dma_semaphore, #tpu.memory_space<semaphore_mem>> -> memref<!tpu.dma_semaphore, #tpu.memory_space<semaphore_mem>>
    %dma_wait3A_558 = arith.constant 0 : i32
    %dma_wait3A_559 = tpu.memref_slice %arg4[%add3A_547, %dma_wait3A_558] : memref<819200x64xf32, #tpu.memory_space<hbm>> -> memref<400x64xf32, #tpu.memory_space<hbm>>
    %dma_wait3A_560 = arith.constant 0 : i32
    %dma_wait3A_561 = arith.constant 0 : i32
    %dma_wait3A_562 = tpu.memref_slice %arg9[%dma_wait3A_548, %dma_wait3A_560, %dma_wait3A_561] : memref<4x400x64xf32, #tpu.memory_space<vmem>> -> memref<1x400x64xf32, #tpu.memory_space<vmem>>
    %dma_wait3A_563 = tpu.memref_squeeze %dma_wait3A_562 : memref<1x400x64xf32, #tpu.memory_space<vmem>> -> memref<400x64xf32, #tpu.memory_space<vmem>>
    tpu.wait_dma2 semaphore(%dma_wait3A_557 : memref<!tpu.dma_semaphore, #tpu.memory_space<semaphore_mem>>) src(%dma_wait3A_563 : memref<400x64xf32, #tpu.memory_space<vmem>>) dst(%dma_wait3A_559 : memref<400x64xf32, #tpu.memory_space<hbm>>)
    %add3A_564 = arith.constant 25200 : i32
    %add3A_565 = arith.addi %mul3A_2, %add3A_564 : i32
    %dma_wait3A_566 = arith.constant 3 : i32
    %dma_wait3A_567 = arith.constant 3 : i32
    %dma_wait3A_568 = arith.constant 0 : i32
    %dma_wait3A_569 = arith.constant 0 : i32
    %dma_wait3A_570 = tpu.memref_slice %arg9[%dma_wait3A_566, %dma_wait3A_568, %dma_wait3A_569] : memref<4x400x64xf32, #tpu.memory_space<vmem>> -> memref<1x400x64xf32, #tpu.memory_space<vmem>>
    %dma_wait3A_571 = tpu.memref_squeeze %dma_wait3A_570 : memref<1x400x64xf32, #tpu.memory_space<vmem>> -> memref<400x64xf32, #tpu.memory_space<vmem>>
    %dma_wait3A_572 = arith.constant 0 : i32
    %dma_wait3A_573 = tpu.memref_slice %arg4[%add3A_565, %dma_wait3A_572] : memref<819200x64xf32, #tpu.memory_space<hbm>> -> memref<400x64xf32, #tpu.memory_space<hbm>>
    %dma_wait3A_574 = tpu.memref_slice %arg12[%dma_wait3A_567] : memref<4x!tpu.dma_semaphore, #tpu.memory_space<semaphore_mem>> -> memref<1x!tpu.dma_semaphore, #tpu.memory_space<semaphore_mem>>
    %dma_wait3A_575 = tpu.memref_squeeze %dma_wait3A_574 : memref<1x!tpu.dma_semaphore, #tpu.memory_space<semaphore_mem>> -> memref<!tpu.dma_semaphore, #tpu.memory_space<semaphore_mem>>
    %dma_wait3A_576 = arith.constant 0 : i32
    %dma_wait3A_577 = tpu.memref_slice %arg4[%add3A_565, %dma_wait3A_576] : memref<819200x64xf32, #tpu.memory_space<hbm>> -> memref<400x64xf32, #tpu.memory_space<hbm>>
    %dma_wait3A_578 = arith.constant 0 : i32
    %dma_wait3A_579 = arith.constant 0 : i32
    %dma_wait3A_580 = tpu.memref_slice %arg9[%dma_wait3A_566, %dma_wait3A_578, %dma_wait3A_579] : memref<4x400x64xf32, #tpu.memory_space<vmem>> -> memref<1x400x64xf32, #tpu.memory_space<vmem>>
    %dma_wait3A_581 = tpu.memref_squeeze %dma_wait3A_580 : memref<1x400x64xf32, #tpu.memory_space<vmem>> -> memref<400x64xf32, #tpu.memory_space<vmem>>
    tpu.wait_dma2 semaphore(%dma_wait3A_575 : memref<!tpu.dma_semaphore, #tpu.memory_space<semaphore_mem>>) src(%dma_wait3A_581 : memref<400x64xf32, #tpu.memory_space<vmem>>) dst(%dma_wait3A_577 : memref<400x64xf32, #tpu.memory_space<hbm>>)
    return
  }
}

</mosaic_0001>

<sc_bundles>
// kernel: embed_gather.3.cloned.1.call-start
scs
__scs_entry_jumppad:
0x0: {  	(pc) =	sbr.rel $0x88, $3  }
0x1: {  	(tag) =	ssettag $0x0;
	lr =	simm.s32 $0x1  }
0x2: {  	[smem:$0x3F9F] =	sst lr;
	_ =	strace $0xD0000000  }
0x3: {  	_ = 	snop  }
0x4: {  	_ = 	snop  }
0x5: {  	_ = 	snop  }
0x6: {  	_ = 	snop  }
0x7: {  	_ = 	snop  }
__scs_overlays_trampoline_lowered:
0x8: {  	[smem:$0x3FAE] =	sst s0  }
0x9: {  	[smem:$0x3FAF] =	sst s1  }
0xa: {  	[smem:$0x3FB0] =	sst s2  }
0xb: {  	[smem:$0x3FB1] =	sst s3  }
0xc: {  	[smem:$0x3FB2] =	sst s4  }
0xd: {  	[smem:$0x3FB3] =	sst s5  }
0xe: {  	[smem:$0x3FB4] =	sst s6  }
0xf: {  	[smem:$0x3FB5] =	sst s7  }
0x10: {  	[smem:$0x3FB6] =	sst s8  }
0x11: {  	[smem:$0x3FB7] =	sst s9;
	s0 =	simm.s32 @!p0 $0x0  }
0x12: {  	s1 =	sld [smem:$0x3F9D];
	s0 =	simm.s32 @p0 $0x1  }
0x13: {  	[smem:$0x3FB8] =	sst s0;
	s0 =	simm.s32 @!p1 $0x0  }
0x14: {  	s2 =	sld [smem:$0x3F9C];
	s0 =	simm.s32 @p1 $0x1  }
0x15: {  	[smem:$0x3FB9] =	sst s0;
	s0 =	simm.s32 @!p2 $0x0  }
0x16: {  	s3 =	sld [smem:$0x3FDB];
	s0 =	simm.s32 @p2 $0x1  }
0x17: {  	s4 =	simm.s32 $0x1BF5;
	[smem:$0x3FBB] =	sst s0  }
0x18: {  	s0 =	sld [smem:$0x3F9E];
	_ =	swait.ge [sflag:s4], $0x0  }
0x19: {  	s7 =	sld [smem:$0x3F9F]  }
0x1a: {  	s8 =	sadd.s32 $0xFFFFE003, lr  }
0x1b: {  	s9 =	sadd.s32 $0xFFFFFEF7, lr;
	s5 =	simm.s32 $0xFFFFFFFF;
	p2 =	slt.u32 s8, $0xFFFFF086  }
0x1c: {  	p1 =	slt.u32 s9, $0xF7A;
	s5 =	simm.s32 @!p2 $0x0  }
0x1d: {  	s5 =	simm.s32 @p1 $0x1;
	p0 =	seq.s32 s7, s2  }
0x1e: {  	s7 =	smul.u32 @!p0 $0xF7A, s2;
	p2 =	seq.s32 @!p0 s5, $0x0  }
0x1f: {  	s9 =	smul.u32 $0xF7A, s1;
	s8 =	simm.s32 @!p0 $0x1BF5;
	p2 =	por !p2, p0  }
0x20: {  	[sflag:s8] =	ssyncset.s32 @!p0 $0xFFFFF086;
	s6 =	sadd.s32 @!p0 s3, s7;
	s7 =	simm.s32 @!p0 $0x108  }
0x21: {  	s3 =	sadd.s32 s3, s9;
	s6 =	sadd.s32 @!p0 $0x88, s6;
	s7 =	simm.s32 @p2 $0x1082  }
0x22: {  	[simem:s7], [sflag:s8] =	dma.local @!p0 [hbm:s6], $0xF7A  }
0x23: {  	s9 =	sor.u32 $0xD0000000, s2;
	s6 =	simm.s32 $0x108;
	_ =	swait.ge @!p0 [sflag:s8], $0x0  }
0x24: {  	s3 =	sadd.s32 $0x88, s3;
	s6 =	simm.s32 @!p1 $0x1082;
	[sflag:s4] =	ssyncset.s32 $0xFFFFF086  }
0x25: {  	[simem:s6], [sflag:s4] =	dma.local [hbm:s3], $0xF7A  }
0x26: {  	[smem:$0x3F9F] =	sst s1;
	(tag) =	ssettag s2;
	_ =	strace s9  }
0x27: {  	s1 =	sld [smem:$0x3FAF]  }
0x28: {  	s2 =	sld [smem:$0x3FB0]  }
0x29: {  	s4 =	sld [smem:$0x3FB2]  }
0x2a: {  	p0 =	seq.s32 s5, $0x0;
	s5 =	sld [smem:$0x3FB3]  }
0x2b: {  	s6 =	sld [smem:$0x3FB4]  }
0x2c: {  	s7 =	sld [smem:$0x3FB5]  }
0x2d: {  	s3 =	simm.s32 $0x108;
	s8 =	sld [smem:$0x3FB6]  }
0x2e: {  	s3 =	simm.s32 @!p0 $0x1082;
	s9 =	sld [smem:$0x3FB7]  }
0x2f: {  	lr =	sadd.s32 s0, s3;
	s0 =	sld [smem:$0x3FAE]  }
0x30: {  	s3 =	sld [smem:$0x3FB1]  }
0x31: {  	[smem:$0x3FBA] =	sst s10  }
0x32: {  	s10 =	sld [smem:$0x3FB8];
	_ =	sdelay $0x3  }
0x33: {  	p0 =	seq.s32 s10, $0x1;
	s10 =	sld [smem:$0x3FBA];
	_ =	sdelay $0x3  }
0x34: {  	[smem:$0x3FBA] =	sst s10  }
0x35: {  	s10 =	sld [smem:$0x3FB9];
	_ =	sdelay $0x3  }
0x36: {  	p1 =	seq.s32 s10, $0x1;
	s10 =	sld [smem:$0x3FBA];
	_ =	sdelay $0x3  }
0x37: {  	[smem:$0x3FBA] =	sst s10  }
0x38: {  	s10 =	sld [smem:$0x3FBB]  }
0x39: {  	_ = 	snop;
	(pc) =	sbr.ind lr, $3  }
0x3a: {  	_ = 	snop  }
0x3b: {  	_ = 	snop  }
0x3c: {  	p2 =	seq.s32 s10, $0x1;
	s10 =	sld [smem:$0x3FBA]  }
0x3d: {  	_ =	shalt  }
0x3e: {  	_ =	shalt  }
0x3f: {  	_ =	shalt  }
0x40: {  	_ =	shalt  }
0x41: {  	_ =	shalt  }
0x42: {  	_ =	shalt  }
0x43: {  	_ =	shalt  }
0x44: {  	_ =	shalt  }
0x45: {  	_ =	shalt  }
0x46: {  	_ =	shalt  }
0x47: {  	_ =	shalt  }
0x48: {  	_ =	shalt  }
0x49: {  	_ =	shalt  }
0x4a: {  	_ =	shalt  }
0x4b: {  	_ =	shalt  }
0x4c: {  	_ =	shalt  }
0x4d: {  	_ =	shalt  }
0x4e: {  	_ =	shalt  }
0x4f: {  	_ =	shalt  }
0x50: {  	_ =	shalt  }
0x51: {  	_ =	shalt  }
0x52: {  	_ =	shalt  }
0x53: {  	_ =	shalt  }
0x54: {  	_ =	shalt  }
0x55: {  	_ =	shalt  }
0x56: {  	_ =	shalt  }
0x57: {  	_ =	shalt  }
0x58: {  	_ =	shalt  }
0x59: {  	_ =	shalt  }
0x5a: {  	_ =	shalt  }
0x5b: {  	_ =	shalt  }
0x5c: {  	_ =	shalt  }
0x5d: {  	_ =	shalt  }
0x5e: {  	_ =	shalt  }
0x5f: {  	_ =	shalt  }
0x60: {  	_ =	shalt  }
0x61: {  	_ =	shalt  }
0x62: {  	_ =	shalt  }
0x63: {  	_ =	shalt  }
0x64: {  	_ =	shalt  }
0x65: {  	_ =	shalt  }
0x66: {  	_ =	shalt  }
0x67: {  	_ =	shalt  }
0x68: {  	_ =	shalt  }
0x69: {  	_ =	shalt  }
0x6a: {  	_ =	shalt  }
0x6b: {  	_ =	shalt  }
0x6c: {  	_ =	shalt  }
0x6d: {  	_ =	shalt  }
0x6e: {  	_ =	shalt  }
0x6f: {  	_ =	shalt  }
0x70: {  	_ =	shalt  }
0x71: {  	_ =	shalt  }
0x72: {  	_ =	shalt  }
0x73: {  	_ =	shalt  }
0x74: {  	_ =	shalt  }
0x75: {  	_ =	shalt  }
0x76: {  	_ =	shalt  }
0x77: {  	_ =	shalt  }
0x78: {  	_ =	shalt  }
0x79: {  	_ =	shalt  }
0x7a: {  	_ =	shalt  }
0x7b: {  	_ =	shalt  }
0x7c: {  	_ =	shalt  }
0x7d: {  	_ =	shalt  }
0x7e: {  	_ =	shalt  }
0x7f: {  	_ =	shalt  }
0x80: {  	_ =	shalt  }
0x81: {  	_ =	shalt  }
0x82: {  	_ =	shalt  }
0x83: {  	_ =	shalt  }
0x84: {  	_ =	shalt  }
0x85: {  	_ =	shalt  }
0x86: {  	_ =	shalt  }
0x87: {  	_ =	shalt  }
.Lfunc_end0:
.L_simem_size_0:
called_computation.2_lowered:
.L_overlay_start_0:
0x88: {  	s2 =	sld [smem:$0x3FD9]  }
0x89: {  	s3 =	sld [smem:$0x3FFE];
	_ =	sdelay $0x1  }
0x8a: {  	s1 =	srdreg.scid  }
0x8b: {  	s0 =	sand.u32 $0x1, s1  }
0x8c: {  	s17 =	sshll.u32 s0, $0xA;
	s2 =	sadd.s32 s3, s2  }
0x8d: {  	s2 =	sadd.s32 s2, s17  }
0x8e: {  	[smem:$0x3FC6] =	sst s2  }
0x8f: {  	_ = 	snop  }
0x90: {  	s2 =	sld [smem:$0x3FD0];
	(tm) =	ssettm $0x1  }
0x91: {  	s18 =	sld [smem:$0x3FFB];
	_ =	sdelay $0x3  }
0x92: {  	_ =	strace s18  }
0x93: {  	s3 =	sld [smem:$0x3FFC];
	_ =	sdelay $0x3  }
0x94: {  	_ =	strace s3  }
0x95: {  	s3 =	sld [smem:$0x3FFD];
	_ =	sdelay $0x3  }
0x96: {  	_ =	strace s3  }
0x97: {  	_ =	strace $0x8FFFFFFF  }
0x98: {  	s19 =	sld [smem:$0x3FDB];
	_ =	sdelay $0x1  }
0x99: {  	s4 =	simm.s32 $_scs_section_size  }
0x9a: {  	s5 =	simm.s32 $_size__tile_overlayer_lowered;
	s6 =	simm.s32 $_tile_overlayer_lowered  }
0x9b: {  	s22 =	simm.s32 $0x1BFF;
	s21 =	sshll.u32 s6, $0x1;
	s3 =	sadd.s32 s4, s19  }
0x9c: {  	s7 =	simm.s32 $0x0;
	s20 =	sshll.u32 s5, $0x1;
	s5 =	sadd.s32 s21, s3  }
0x9d: {  	[timem:s7], [sflag:s22] =	dma.local [hbm:s5], s20  }
0x9e: {  	_ =	swait.ge [sflag:s22], s20  }
0x9f: {  	s4 =	ssub.s32 $0x0, s20;
	[sflag:s22] =	ssyncset.done $0x0  }
0xa0: {  	[sflag:s22] =	ssyncadd.s32 s4;
	_ =	sdelay $0x1  }
0xa1: {  	s23 =	simm.s32 $0x1B8B  }
0xa2: {  	_ =	swait.ge [sflag:s23], $0x1  }
0xa3: {  	[sflag:s23] =	ssyncset.done $0x0  }
0xa4: {  	s25 =	simm.s32 $0x1B8E;
	s24 =	sld [smem:$0x3FFE];
	[sflag:s23] =	ssyncadd.s32 $0xFFFFFFFF  }
0xa5: {  	s26 =	simm.s32 $execute0_lowered;
	[smem:$0x3FD2] =	sst s25  }
0xa6: {  	s5 =	sshll.u32 s26, $0x1;
	_ =	strace $0x80000049;
	[dreg:$0x1] =	wrdreg $0xFFFFFFFF  }
0xa7: {  	s28 =	simm.s32 $_size_execute0_lowered;
	s3 =	sadd.s32 s3, s5;
	[dreg:$0x0] =	wrdreg $0x0  }
0xa8: {  	s5 =	sshll.u32 s28, $0x1;
	[dreg:$0x2] =	wrdreg s3  }
0xa9: {  	[dreg:$0x3] =	wrdreg s5  }
0xaa: {  	[dreg:$0x4] =	wrdreg $0xC0  }
0xab: {  	_ =	task [dreg:s7], $0x5FFFF  }
0xac: {  	[dreg:$0x1] =	wrdreg $0xFFFFFFFF  }
0xad: {  	[dreg:$0x0] =	wrdreg $0x60  }
0xae: {  	[dreg:$0x2] =	wrdreg s24  }
0xaf: {  	[dreg:$0x3] =	wrdreg s2  }
0xb0: {  	[dreg:$0x4] =	wrdreg $0x9  }
0xb1: {  	_ =	task.clear_ibuf [dreg:s7], $0x5FFFF;
	_ =	strace $0x90000049  }
0xb2: {  	s29 =	simm.s32 $0x9;
	_ =	strace $0x8000004B  }
0xb3: {  	_ =	swait.ge [sflag:s29], $0x1  }
0xb4: {  	[sflag:s29] =	ssyncadd.s32 $0xFFFFFFFF  }
0xb5: {  	_ =	strace $0x9000004B  }
0xb6: {  	_ =	sfence  }
0xb7: {  	s30 =	sld [smem:$0x0];
	_ =	sdelay $0x2  }
0xb8: {  	s31 =	sshll.u32 s1, $0xD;
	s1 =	sshrl.u32 s1, $0x2  }
0xb9: {  	s3 =	sand.u32 $0x4000, s31;
	s1 =	sadd.s32 s1, s30  }
0xba: {  	s0 =	sor.u32 s3, s0;
	s1 =	sshll.u32 s1, $0x11  }
0xbb: {  	s0 =	sor.u32 s1, s0  }
0xbc: {  	s0 =	sadd.s32 $0x8F2B, s0  }
0xbd: {  	[sflag:s0] =	ssyncadd.remote.s32 $0x1  }
0xbe: {  	_ =	sfence.sel $0xFFFF  }
0xbf: {  	[dreg:$0x0] =	wrdreg $0xFFFFFFFF;
	(pc) =	sbr.abs _section_cstart, $3  }
0xc0: {  	[dreg:$0x1] =	wrdreg $0xFFFFFFFF  }
0xc1: {  	_ =	task.clear_ibuf [dreg:s7], $0x2FFFF;
	_ =	strace $0x9FFFFFFF  }
0xc2: {  	(tm) =	ssettm $0x7FFFFFFF  }
0xc3: {  	_ =	shalt  }
tec
execute0_lowered:
.L_overlay_start_1:
0x0: {  	(tag) =	ssettag $0x1  }
0x1: {  	s0 =	rddreg [dreg:$0x0]  }
0x2: {  	s1 =	rddreg [dreg:$0x1];
	s3 =	srdreg.scid  }
0x3: {  	s13 =	stileid.u32;
	s2 =	simm.s32 $0x0;
	s28 =	simm.s32 $0x4B0  }
0x4: {  	s29 =	simm.s32 $0x1;
	s30 =	simm.s32 $0x640;
	s31 =	simm.s32 $0x2  }
0x5: {  	s4 =	sand.u32 $0x1, s3;
	s19 =	sshll.u32 s13, $0x1;
	s7 =	sadd.s32 $0xF43200, s0  }
0x6: {  	s5 =	sor.u32 s4, s19;
	s20 =	ssub.s32 $0x2, s4;
	s4 =	smul.u32 $0x6400, s4  }
0x7: {  	[smem:$0x7FF] =	sst s2;
	s3 =	sadd.s32 $0xF5C200, s0;
	s6 =	smul.u32 $0x6400, s5  }
0x8: {  	_ =	strace $0x8000004A;
	s8 =	sshrl.u32 s20, $0x1;
	s11 =	smul.u32 $0x32000, s5  }
0x9: {  	s5 =	smul.u32 $0x190000, s5;
	s0 =	ssub.s32 s20, s8;
	s9 =	sshrl.u32 s6, $0x3  }
0xa: {  	s10 =	sor.u32 $0x190, s6;
	s22 =	sor.u32 $0x320, s6;
	s25 =	sadd.s32 s1, s11  }
0xb: {  	s6 =	sadd.s32 $0x4B0, s6;
	s0 =	smax.u32 s0, $0x1;
	[dreg:$0xb] =	wrdreg s25  }
0xc: {  	s14 =	sadd.s32 s7, s9;
	s21 =	sshrl.u32 s10, $0x3;
	[dreg:$0x17] =	wrdreg s0  }
0xd: {  	s12 =	sshrl.u32 s6, $0x3;
	s8 =	sadd.s32 s7, s21;
	[dreg:$0x7] =	wrdreg s14  }
0xe: {  	s5 =	sshrl.u32 s5, $0x3;
	s24 =	sadd.s32 s7, s12;
	[dreg:$0x8] =	wrdreg s8  }
0xf: {  	s23 =	sshrl.u32 s22, $0x3;
	s26 =	sadd.s32 $0xC8, s14;
	[dreg:$0xa] =	wrdreg s24  }
0x10: {  	s12 =	smul.u32 $0xC800, s13;
	s13 =	sadd.s32 $0xFA, s14;
	[dreg:$0xc] =	wrdreg s26  }
0x11: {  	s6 =	sshll.u32 s6, $0x3;
	s15 =	sadd.s32 $0x12C, s14;
	[dreg:$0xe] =	wrdreg s13  }
0x12: {  	s10 =	sshll.u32 s10, $0x3;
	s6 =	sadd.s32 s1, s6;
	[dreg:$0x10] =	wrdreg s15  }
0x13: {  	s5 =	sadd.s32 s1, s5;
	s16 =	sadd.s32 $0x15E, s14;
	[dreg:$0x11] =	wrdreg s6  }
0x14: {  	s11 =	sshll.u32 s22, $0x3;
	s17 =	sadd.s32 $0x2EE00, s5;
	[dreg:$0x12] =	wrdreg s16  }
0x15: {  	s9 =	simm.s32 $0x13240;
	s19 =	sadd.s32 $0x2FA80, s5;
	[dreg:$0x13] =	wrdreg s17  }
0x16: {  	s21 =	sadd.s32 $0x30700, s5;
	s5 =	sadd.s32 $0x31380, s5;
	[dreg:$0x14] =	wrdreg s19  }
0x17: {  	s14 =	simm.s32 $0xB;
	s8 =	sadd.s32 s7, s23;
	[dreg:$0x15] =	wrdreg s21  }
0x18: {  	[dreg:$0x16] =	wrdreg s5;
	s13 =	simm.s32 $0xA;
	s15 =	simm.s32 $0xC  }
0x19: {  	s16 =	simm.s32 $0x0;
	[dreg:$0x9] =	wrdreg s8;
	s8 =	sadd.s32 s1, s10  }
0x1a: {  	s4 =	sadd.s32 s4, s12;
	s10 =	simm.s32 $0x7;
	s12 =	simm.s32 $0x8  }
0x1b: {  	[dreg:$0xd] =	wrdreg s8;
	s8 =	sadd.s32 s1, s11;
	s18 =	sadd.s32 $0x1130, s4  }
0x1c: {  	s20 =	sadd.s32 $0xFA0, s4;
	s23 =	sadd.s32 $0xE10, s4;
	s24 =	sshll.u32 s4, $0x3  }
0x1d: {  	s4 =	sadd.s32 $0xC80, s4;
	s11 =	simm.s32 $0x9;
	[dreg:$0xf] =	wrdreg s8  }
0x1e: {  	s6 =	sshrl.u32 s18, $0x3;
	s8 =	sshrl.u32 s20, $0x3;
	s0 =	sshrl.u32 s23, $0x3  }
0x1f: {  	s1 =	sadd.s32 s1, s24;
	s4 =	sshrl.u32 s4, $0x3;
	s6 =	sadd.s32 s6, s7  }
0x20: {  	s22 =	sadd.s32 s8, s7;
	s0 =	sadd.s32 s0, s7;
	[dreg:$0x3] =	wrdreg s6  }
0x21: {  	s5 =	sadd.s32 $0x5780, s1;
	s25 =	sadd.s32 s4, s7;
	[dreg:$0x4] =	wrdreg s22  }
0x22: {  	s26 =	sadd.s32 $0x3E80, s1;
	s23 =	sadd.s32 $0x4B00, s1;
	[dreg:$0x18] =	wrdreg s5  }
0x23: {  	s24 =	sadd.s32 $0x3200, s1;
	s1 =	simm.s32 $0x5;
	[dreg:$0x5] =	wrdreg s0  }
0x24: {  	s7 =	simm.s32 $0x6;
	s8 =	simm.s32 $0x4;
	[dreg:$0x19] =	wrdreg s26  }
0x25: {  	[dreg:$0x6] =	wrdreg s25;
	s25 =	simm.s32 $0x190;
	s26 =	simm.s32 $0x320  }
0x26: {  	s0 =	simm.s32 $0x6A40;
	s5 =	simm.s32 $0x3;
	s6 =	simm.s32 $0xCE40  }
.LBB2_1:
0x27: {  	s4 =	rddreg [dreg:$0x7]  }
0x28: {  	[tilespmem:s2], [sflag:$0x1] =	stream.linear.gather [hbm4b:s4+s2], $0x190, $0x38;
	[tilespmem:$0x19640] =	vst v63  }
0x29: {  	s19 =	rddreg [dreg:$0x8]  }
0x2a: {  	[tilespmem:s25], [sflag:$0x2] =	stream.linear.gather [hbm4b:s19+s2], $0x190, $0x38;
	[tilespmem:$0x19640] =	vst v63  }
0x2b: {  	s20 =	rddreg [dreg:$0x9]  }
0x2c: {  	[tilespmem:s26], [sflag:$0x3] =	stream.linear.gather [hbm4b:s20+s2], $0x190, $0x38;
	[tilespmem:$0x19640] =	vst v63  }
0x2d: {  	s21 =	rddreg [dreg:$0xa]  }
0x2e: {  	[tilespmem:s28], [sflag:$0x4] =	stream.linear.gather [hbm4b:s21+s2], $0x190, $0x38;
	[tilespmem:$0x19640] =	vst v63  }
0x2f: {  	_ =	swait.ge [sflag:s29], $0x190  }
0x30: {  	[sflag:s29] =	ssyncset.done $0x0  }
0x31: {  	[sflag:s29] =	ssyncadd.s32 $0xFFFFFE70  }
0x32: {  	[tilespmem:s30], [sflag:$0x5] =	stream.indirect.gather [hbm4b:s3+s25], $0x40, s2, s25, $0xb8;
	[tilespmem:$0x19640] =	vst v63  }
0x33: {  	_ =	swait.ge [sflag:s31], $0x190  }
0x34: {  	[sflag:s31] =	ssyncset.done $0x0  }
0x35: {  	[sflag:s31] =	ssyncadd.s32 $0xFFFFFE70  }
0x36: {  	[tilespmem:s0], [sflag:$0x6] =	stream.indirect.gather [hbm4b:s3+s25], $0x40, s25, s25, $0xb8;
	[tilespmem:$0x19640] =	vst v63  }
0x37: {  	_ =	swait.ge [sflag:s1], $0x6400  }
0x38: {  	[sflag:s1] =	ssyncset.done $0x0  }
0x39: {  	s22 =	rddreg [dreg:$0xb];
	[sflag:s1] =	ssyncadd.s32 $0xFFFF9C00  }
0x3a: {  	[hbm4b:s22+s2] =	stream.linear.scatter [tilespmem:s30], [sflag:$0x9], $0x6400, $0x38;
	[tilespmem:$0x19640] =	vst v63  }
0x3b: {  	s17 =	rddreg [dreg:$0xc]  }
0x3c: {  	[tilespmem:s2], [sflag:$0x1] =	stream.linear.gather [hbm4b:s17+s2], $0x190, $0x38;
	[tilespmem:$0x19640] =	vst v63  }
0x3d: {  	_ =	swait.ge [sflag:s5], $0x190  }
0x3e: {  	[sflag:s5] =	ssyncset.done $0x0  }
0x3f: {  	[sflag:s5] =	ssyncadd.s32 $0xFFFFFE70  }
0x40: {  	[tilespmem:s6], [sflag:$0x7] =	stream.indirect.gather [hbm4b:s3+s25], $0x40, s26, s25, $0xb8;
	[tilespmem:$0x19640] =	vst v63  }
0x41: {  	_ =	swait.ge [sflag:s7], $0x6400  }
0x42: {  	[sflag:s7] =	ssyncset.done $0x0  }
0x43: {  	s18 =	rddreg [dreg:$0xd];
	[sflag:s7] =	ssyncadd.s32 $0xFFFF9C00  }
0x44: {  	[hbm4b:s18+s2] =	stream.linear.scatter [tilespmem:s0], [sflag:$0xA], $0x6400, $0x38;
	[tilespmem:$0x19640] =	vst v63  }
0x45: {  	s19 =	rddreg [dreg:$0xe]  }
0x46: {  	[tilespmem:s25], [sflag:$0x2] =	stream.linear.gather [hbm4b:s19+s2], $0x190, $0x38;
	[tilespmem:$0x19640] =	vst v63  }
0x47: {  	_ =	swait.ge [sflag:s8], $0x190  }
0x48: {  	[sflag:s8] =	ssyncset.done $0x0  }
0x49: {  	[sflag:s8] =	ssyncadd.s32 $0xFFFFFE70  }
0x4a: {  	[tilespmem:s9], [sflag:$0x8] =	stream.indirect.gather [hbm4b:s3+s25], $0x40, s28, s25, $0xb8;
	[tilespmem:$0x19640] =	vst v63  }
0x4b: {  	_ =	swait.ge [sflag:s10], $0x6400  }
0x4c: {  	[sflag:s10] =	ssyncset.done $0x0  }
0x4d: {  	s20 =	rddreg [dreg:$0xf];
	[sflag:s10] =	ssyncadd.s32 $0xFFFF9C00  }
0x4e: {  	[hbm4b:s20+s2] =	stream.linear.scatter [tilespmem:s6], [sflag:$0xB], $0x6400, $0x38;
	[tilespmem:$0x19640] =	vst v63  }
0x4f: {  	s21 =	rddreg [dreg:$0x10]  }
0x50: {  	[tilespmem:s26], [sflag:$0x3] =	stream.linear.gather [hbm4b:s21+s2], $0x190, $0x38;
	[tilespmem:$0x19640] =	vst v63  }
0x51: {  	_ =	swait.ge [sflag:s11], $0x6400  }
0x52: {  	[sflag:s11] =	ssyncset.done $0x0  }
0x53: {  	[sflag:s11] =	ssyncadd.s32 $0xFFFF9C00  }
0x54: {  	_ =	swait.ge [sflag:s29], $0x190  }
0x55: {  	[sflag:s29] =	ssyncset.done $0x0  }
0x56: {  	[sflag:s29] =	ssyncadd.s32 $0xFFFFFE70  }
0x57: {  	[tilespmem:s30], [sflag:$0x5] =	stream.indirect.gather [hbm4b:s3+s25], $0x40, s2, s25, $0xb8;
	[tilespmem:$0x19640] =	vst v63  }
0x58: {  	_ =	swait.ge [sflag:s12], $0x6400  }
0x59: {  	[sflag:s12] =	ssyncset.done $0x0  }
0x5a: {  	s22 =	rddreg [dreg:$0x11];
	[sflag:s12] =	ssyncadd.s32 $0xFFFF9C00  }
0x5b: {  	[hbm4b:s22+s2] =	stream.linear.scatter [tilespmem:s9], [sflag:$0xC], $0x6400, $0x38;
	[tilespmem:$0x19640] =	vst v63  }
0x5c: {  	s17 =	rddreg [dreg:$0x12]  }
0x5d: {  	[tilespmem:s28], [sflag:$0x4] =	stream.linear.gather [hbm4b:s17+s2], $0x190, $0x38;
	[tilespmem:$0x19640] =	vst v63  }
0x5e: {  	_ =	swait.ge [sflag:s13], $0x6400  }
0x5f: {  	[sflag:s13] =	ssyncset.done $0x0  }
0x60: {  	[sflag:s13] =	ssyncadd.s32 $0xFFFF9C00  }
0x61: {  	_ =	swait.ge [sflag:s31], $0x190  }
0x62: {  	[sflag:s31] =	ssyncset.done $0x0  }
0x63: {  	[sflag:s31] =	ssyncadd.s32 $0xFFFFFE70  }
0x64: {  	[tilespmem:s0], [sflag:$0x6] =	stream.indirect.gather [hbm4b:s3+s25], $0x40, s25, s25, $0xb8;
	[tilespmem:$0x19640] =	vst v63  }
0x65: {  	_ =	swait.ge [sflag:s1], $0x6400  }
0x66: {  	[sflag:s1] =	ssyncset.done $0x0  }
0x67: {  	s18 =	rddreg [dreg:$0x6];
	[sflag:s1] =	ssyncadd.s32 $0xFFFF9C00  }
0x68: {  	[hbm4b:s24+s2] =	stream.linear.scatter [tilespmem:s30], [sflag:$0x9], $0x6400, $0x38;
	[tilespmem:$0x19640] =	vst v63  }
0x69: {  	s4 =	sadd.s32 $0x0, s18  }
0x6a: {  	[tilespmem:s2], [sflag:$0x1] =	stream.linear.gather [hbm4b:s4+s2], $0x190, $0x38;
	[tilespmem:$0x19640] =	vst v63  }
0x6b: {  	_ =	swait.ge [sflag:s14], $0x6400  }
0x6c: {  	[sflag:s14] =	ssyncset.done $0x0  }
0x6d: {  	[sflag:s14] =	ssyncadd.s32 $0xFFFF9C00  }
0x6e: {  	_ =	swait.ge [sflag:s5], $0x190  }
0x6f: {  	[sflag:s5] =	ssyncset.done $0x0  }
0x70: {  	[sflag:s5] =	ssyncadd.s32 $0xFFFFFE70  }
0x71: {  	[tilespmem:s6], [sflag:$0x7] =	stream.indirect.gather [hbm4b:s3+s25], $0x40, s26, s25, $0xb8;
	[tilespmem:$0x19640] =	vst v63  }
0x72: {  	_ =	swait.ge [sflag:s7], $0x6400  }
0x73: {  	[sflag:s7] =	ssyncset.done $0x0;
	s19 =	rddreg [dreg:$0x5]  }
0x74: {  	s21 =	rddreg [dreg:$0x19];
	[sflag:s7] =	ssyncadd.s32 $0xFFFF9C00  }
0x75: {  	[hbm4b:s21+s2] =	stream.linear.scatter [tilespmem:s0], [sflag:$0xA], $0x6400, $0x38;
	[tilespmem:$0x19640] =	vst v63  }
0x76: {  	s4 =	sadd.s32 $0x0, s19  }
0x77: {  	[tilespmem:s25], [sflag:$0x2] =	stream.linear.gather [hbm4b:s4+s2], $0x190, $0x38;
	[tilespmem:$0x19640] =	vst v63  }
0x78: {  	_ =	swait.ge [sflag:s15], $0x6400  }
0x79: {  	[sflag:s15] =	ssyncset.done $0x0  }
0x7a: {  	[sflag:s15] =	ssyncadd.s32 $0xFFFF9C00  }
0x7b: {  	_ =	swait.ge [sflag:s8], $0x190  }
0x7c: {  	[sflag:s8] =	ssyncset.done $0x0  }
0x7d: {  	[sflag:s8] =	ssyncadd.s32 $0xFFFFFE70  }
0x7e: {  	[tilespmem:s9], [sflag:$0x8] =	stream.indirect.gather [hbm4b:s3+s25], $0x40, s28, s25, $0xb8;
	[tilespmem:$0x19640] =	vst v63  }
0x7f: {  	_ =	swait.ge [sflag:s10], $0x6400  }
0x80: {  	[sflag:s10] =	ssyncset.done $0x0  }
0x81: {  	s20 =	rddreg [dreg:$0x4];
	[sflag:s10] =	ssyncadd.s32 $0xFFFF9C00  }
0x82: {  	[hbm4b:s23+s2] =	stream.linear.scatter [tilespmem:s6], [sflag:$0xB], $0x6400, $0x38;
	[tilespmem:$0x19640] =	vst v63  }
0x83: {  	s4 =	sadd.s32 $0x0, s20  }
0x84: {  	[tilespmem:s26], [sflag:$0x3] =	stream.linear.gather [hbm4b:s4+s2], $0x190, $0x38;
	[tilespmem:$0x19640] =	vst v63  }
0x85: {  	_ =	swait.ge [sflag:s11], $0x6400  }
0x86: {  	[sflag:s11] =	ssyncset.done $0x0  }
0x87: {  	[sflag:s11] =	ssyncadd.s32 $0xFFFF9C00  }
0x88: {  	_ =	swait.ge [sflag:s29], $0x190  }
0x89: {  	[sflag:s29] =	ssyncset.done $0x0  }
0x8a: {  	[sflag:s29] =	ssyncadd.s32 $0xFFFFFE70  }
0x8b: {  	[tilespmem:s30], [sflag:$0x5] =	stream.indirect.gather [hbm4b:s3+s25], $0x40, s2, s25, $0xb8;
	[tilespmem:$0x19640] =	vst v63  }
0x8c: {  	_ =	swait.ge [sflag:s12], $0x6400  }
0x8d: {  	[sflag:s12] =	ssyncset.done $0x0;
	s22 =	rddreg [dreg:$0x3]  }
0x8e: {  	s20 =	rddreg [dreg:$0x18];
	[sflag:s12] =	ssyncadd.s32 $0xFFFF9C00  }
0x8f: {  	[hbm4b:s20+s2] =	stream.linear.scatter [tilespmem:s9], [sflag:$0xC], $0x6400, $0x38;
	[tilespmem:$0x19640] =	vst v63  }
0x90: {  	s4 =	sadd.s32 $0x0, s22  }
0x91: {  	[tilespmem:s28], [sflag:$0x4] =	stream.linear.gather [hbm4b:s4+s2], $0x190, $0x38;
	[tilespmem:$0x19640] =	vst v63  }
0x92: {  	_ =	swait.ge [sflag:s13], $0x6400  }
0x93: {  	[sflag:s13] =	ssyncset.done $0x0  }
0x94: {  	[sflag:s13] =	ssyncadd.s32 $0xFFFF9C00  }
0x95: {  	s17 =	simm.s32 $0xC8;
	_ =	swait.ge [sflag:s31], $0x190  }
0x96: {  	s18 =	sadd.s32 $0x3200, s23;
	s19 =	sadd.s32 $0x3200, s24;
	[sflag:s31] =	ssyncset.done $0x0  }
0x97: {  	s20 =	sadd.s32 $0x3200, s20;
	s4 =	sadd.s32 $0x3200, s21;
	[sflag:s31] =	ssyncadd.s32 $0xFFFFFE70  }
.LBB2_2:
0x98: {  	[tilespmem:s0], [sflag:$0x6] =	stream.indirect.gather [hbm4b:s3+s25], $0x40, s25, s25, $0xb8;
	[tilespmem:$0x19640] =	vst v63  }
0x99: {  	_ =	swait.ge [sflag:s1], $0x6400  }
0x9a: {  	[sflag:s1] =	ssyncset.done $0x0  }
0x9b: {  	s21 =	smov.u32 s17;
	s22 =	rddreg [dreg:$0x6];
	[sflag:s1] =	ssyncadd.s32 $0xFFFF9C00  }
0x9c: {  	[hbm4b:s19+s2] =	stream.linear.scatter [tilespmem:s30], [sflag:$0x9], $0x6400, $0x38;
	[tilespmem:$0x19640] =	vst v63  }
0x9d: {  	s22 =	sadd.s32 s21, s22  }
0x9e: {  	[tilespmem:s2], [sflag:$0x1] =	stream.linear.gather [hbm4b:s22+s2], $0x190, $0x38;
	[tilespmem:$0x19640] =	vst v63  }
0x9f: {  	_ =	swait.ge [sflag:s14], $0x6400  }
0xa0: {  	[sflag:s14] =	ssyncset.done $0x0  }
0xa1: {  	[sflag:s14] =	ssyncadd.s32 $0xFFFF9C00  }
0xa2: {  	_ =	swait.ge [sflag:s5], $0x190  }
0xa3: {  	[sflag:s5] =	ssyncset.done $0x0  }
0xa4: {  	[sflag:s5] =	ssyncadd.s32 $0xFFFFFE70  }
0xa5: {  	[tilespmem:s6], [sflag:$0x7] =	stream.indirect.gather [hbm4b:s3+s25], $0x40, s26, s25, $0xb8;
	[tilespmem:$0x19640] =	vst v63  }
0xa6: {  	_ =	swait.ge [sflag:s7], $0x6400  }
0xa7: {  	[sflag:s7] =	ssyncset.done $0x0  }
0xa8: {  	s22 =	rddreg [dreg:$0x5];
	[sflag:s7] =	ssyncadd.s32 $0xFFFF9C00  }
0xa9: {  	[hbm4b:s4+s2] =	stream.linear.scatter [tilespmem:s0], [sflag:$0xA], $0x6400, $0x38;
	[tilespmem:$0x19640] =	vst v63  }
0xaa: {  	s22 =	sadd.s32 s21, s22  }
0xab: {  	[tilespmem:s25], [sflag:$0x2] =	stream.linear.gather [hbm4b:s22+s2], $0x190, $0x38;
	[tilespmem:$0x19640] =	vst v63  }
0xac: {  	_ =	swait.ge [sflag:s15], $0x6400  }
0xad: {  	[sflag:s15] =	ssyncset.done $0x0  }
0xae: {  	[sflag:s15] =	ssyncadd.s32 $0xFFFF9C00  }
0xaf: {  	_ =	swait.ge [sflag:s8], $0x190  }
0xb0: {  	[sflag:s8] =	ssyncset.done $0x0  }
0xb1: {  	[sflag:s8] =	ssyncadd.s32 $0xFFFFFE70  }
0xb2: {  	[tilespmem:s9], [sflag:$0x8] =	stream.indirect.gather [hbm4b:s3+s25], $0x40, s28, s25, $0xb8;
	[tilespmem:$0x19640] =	vst v63  }
0xb3: {  	_ =	swait.ge [sflag:s10], $0x6400  }
0xb4: {  	[sflag:s10] =	ssyncset.done $0x0  }
0xb5: {  	s22 =	rddreg [dreg:$0x4];
	[sflag:s10] =	ssyncadd.s32 $0xFFFF9C00  }
0xb6: {  	[hbm4b:s18+s2] =	stream.linear.scatter [tilespmem:s6], [sflag:$0xB], $0x6400, $0x38;
	[tilespmem:$0x19640] =	vst v63  }
0xb7: {  	s22 =	sadd.s32 s21, s22  }
0xb8: {  	[tilespmem:s26], [sflag:$0x3] =	stream.linear.gather [hbm4b:s22+s2], $0x190, $0x38;
	[tilespmem:$0x19640] =	vst v63  }
0xb9: {  	_ =	swait.ge [sflag:s11], $0x6400  }
0xba: {  	[sflag:s11] =	ssyncset.done $0x0  }
0xbb: {  	[sflag:s11] =	ssyncadd.s32 $0xFFFF9C00  }
0xbc: {  	_ =	swait.ge [sflag:s29], $0x190  }
0xbd: {  	[sflag:s29] =	ssyncset.done $0x0  }
0xbe: {  	[sflag:s29] =	ssyncadd.s32 $0xFFFFFE70  }
0xbf: {  	[tilespmem:s30], [sflag:$0x5] =	stream.indirect.gather [hbm4b:s3+s25], $0x40, s2, s25, $0xb8;
	[tilespmem:$0x19640] =	vst v63  }
0xc0: {  	_ =	swait.ge [sflag:s12], $0x6400  }
0xc1: {  	[sflag:s12] =	ssyncset.done $0x0  }
0xc2: {  	s22 =	rddreg [dreg:$0x3];
	[sflag:s12] =	ssyncadd.s32 $0xFFFF9C00  }
0xc3: {  	[hbm4b:s20+s2] =	stream.linear.scatter [tilespmem:s9], [sflag:$0xC], $0x6400, $0x38;
	[tilespmem:$0x19640] =	vst v63  }
0xc4: {  	s21 =	sadd.s32 s21, s22  }
0xc5: {  	[tilespmem:s28], [sflag:$0x4] =	stream.linear.gather [hbm4b:s21+s2], $0x190, $0x38;
	[tilespmem:$0x19640] =	vst v63  }
0xc6: {  	p0 =	sne.s32 s17, $0xA28;
	_ =	swait.ge [sflag:s13], $0x6400  }
.Ltmp0:
0xc7: {  	[sflag:s13] =	ssyncset.done $0x0;
	(pc) =	sbr.rel @p0 .LBB2_2-.Ltmp0, $4  }
0xc8: {  	[sflag:s13] =	ssyncadd.s32 $0xFFFF9C00  }
0xc9: {  	s17 =	sadd.s32 $0xC8, s17;
	_ =	swait.ge [sflag:s31], $0x190  }
0xca: {  	s19 =	sadd.s32 $0x3200, s19;
	s4 =	sadd.s32 $0x3200, s4;
	[sflag:s31] =	ssyncset.done $0x0  }
0xcb: {  	s18 =	sadd.s32 $0x3200, s18;
	s20 =	sadd.s32 $0x3200, s20;
	[sflag:s31] =	ssyncadd.s32 $0xFFFFFE70  }
0xcc: {  	[tilespmem:s0], [sflag:$0x6] =	stream.indirect.gather [hbm4b:s3+s25], $0x40, s25, s25, $0xb8;
	[tilespmem:$0x19640] =	vst v63  }
0xcd: {  	_ =	swait.ge [sflag:s1], $0x6400  }
0xce: {  	[sflag:s1] =	ssyncset.done $0x0  }
0xcf: {  	s4 =	rddreg [dreg:$0x13];
	[sflag:s1] =	ssyncadd.s32 $0xFFFF9C00  }
0xd0: {  	[hbm4b:s4+s2] =	stream.linear.scatter [tilespmem:s30], [sflag:$0x9], $0x6400, $0x38;
	[tilespmem:$0x19640] =	vst v63  }
0xd1: {  	_ =	swait.ge [sflag:s14], $0x6400  }
0xd2: {  	[sflag:s14] =	ssyncset.done $0x0  }
0xd3: {  	[sflag:s14] =	ssyncadd.s32 $0xFFFF9C00  }
0xd4: {  	_ =	swait.ge [sflag:s5], $0x190  }
0xd5: {  	[sflag:s5] =	ssyncset.done $0x0  }
0xd6: {  	[sflag:s5] =	ssyncadd.s32 $0xFFFFFE70  }
0xd7: {  	[tilespmem:s6], [sflag:$0x7] =	stream.indirect.gather [hbm4b:s3+s25], $0x40, s26, s25, $0xb8;
	[tilespmem:$0x19640] =	vst v63  }
0xd8: {  	_ =	swait.ge [sflag:s7], $0x6400  }
0xd9: {  	[sflag:s7] =	ssyncset.done $0x0  }
0xda: {  	s19 =	rddreg [dreg:$0x14];
	[sflag:s7] =	ssyncadd.s32 $0xFFFF9C00  }
0xdb: {  	[hbm4b:s19+s2] =	stream.linear.scatter [tilespmem:s0], [sflag:$0xA], $0x6400, $0x38;
	[tilespmem:$0x19640] =	vst v63  }
0xdc: {  	_ =	swait.ge [sflag:s15], $0x6400  }
0xdd: {  	[sflag:s15] =	ssyncset.done $0x0  }
0xde: {  	[sflag:s15] =	ssyncadd.s32 $0xFFFF9C00  }
0xdf: {  	_ =	swait.ge [sflag:s8], $0x190  }
0xe0: {  	[sflag:s8] =	ssyncset.done $0x0  }
0xe1: {  	[sflag:s8] =	ssyncadd.s32 $0xFFFFFE70  }
0xe2: {  	[tilespmem:s9], [sflag:$0x8] =	stream.indirect.gather [hbm4b:s3+s25], $0x40, s28, s25, $0xb8;
	[tilespmem:$0x19640] =	vst v63  }
0xe3: {  	_ =	swait.ge [sflag:s10], $0x6400  }
0xe4: {  	[sflag:s10] =	ssyncset.done $0x0  }
0xe5: {  	s20 =	rddreg [dreg:$0x15];
	[sflag:s10] =	ssyncadd.s32 $0xFFFF9C00  }
0xe6: {  	[hbm4b:s20+s2] =	stream.linear.scatter [tilespmem:s6], [sflag:$0xB], $0x6400, $0x38;
	[tilespmem:$0x19640] =	vst v63  }
0xe7: {  	_ =	swait.ge [sflag:s11], $0x6400  }
0xe8: {  	[sflag:s11] =	ssyncset.done $0x0  }
0xe9: {  	[sflag:s11] =	ssyncadd.s32 $0xFFFF9C00  }
0xea: {  	_ =	swait.ge [sflag:s12], $0x6400  }
0xeb: {  	[sflag:s12] =	ssyncset.done $0x0  }
0xec: {  	s21 =	rddreg [dreg:$0x16];
	[sflag:s12] =	ssyncadd.s32 $0xFFFF9C00  }
0xed: {  	[hbm4b:s21+s2] =	stream.linear.scatter [tilespmem:s9], [sflag:$0xC], $0x6400, $0x38;
	[tilespmem:$0x19640] =	vst v63  }
0xee: {  	_ =	swait.ge [sflag:s13], $0x6400  }
0xef: {  	[sflag:s13] =	ssyncset.done $0x0  }
0xf0: {  	[sflag:s13] =	ssyncadd.s32 $0xFFFF9C00  }
0xf1: {  	_ =	swait.ge [sflag:s14], $0x6400  }
0xf2: {  	[sflag:s14] =	ssyncset.done $0x0  }
0xf3: {  	[sflag:s14] =	ssyncadd.s32 $0xFFFF9C00  }
0xf4: {  	_ =	swait.ge [sflag:s15], $0x6400  }
0xf5: {  	s16 =	sadd.s32 $0x1, s16;
	s22 =	rddreg [dreg:$0x17]  }
0xf6: {  	p0 =	sne.s32 s16, s22  }
.Ltmp1:
0xf7: {  	_ = 	snop;
	(pc) =	sbr.rel @p0 .LBB2_1-.Ltmp1, $3  }
0xf8: {  	_ =	sdelay $0x1  }
0xf9: {  	[sflag:s15] =	ssyncset.done $0x0  }
0xfa: {  	[sflag:s15] =	ssyncadd.s32 $0xFFFF9C00  }
0xfb: {  	_ =	sfence.sel $0x180000  }
0xfc: {  	[bflag:$0x0] =	sbarrier.arrive $0xFFFF  }
0xfd: {  	_ =	strace $0x9000004A  }
0xfe: {  	s0 =	stileid.u32;
	[bflag:$0x2] =	sbarrier.arrive $0xFFFF  }
0xff: {  	p0 =	sne.s32 s0, $0x0;
	s0 =	rddreg [dreg:$0x2]  }
0x100: {  	s0 =	sadd.s32 @!p0 $0x100000, s0  }
0x101: {  	[sflag:s0] =	ssyncadd.tile.s32 @!p0 $0x1;
	_ =	shalt  }
.Lfunc_end2:
_tile_overlayer_lowered:
.L_overlay_start_2:
0x102: {  	(tag) =	ssettag $0x2  }
0x103: {  	s0 =	rddreg [dreg:$0x0];
	s2 =	stileid.u32  }
0x104: {  	s1 =	rddreg [dreg:$0x1];
	p0 =	sne.s32 s2, $0x0  }
0x105: {  	s3 =	rddreg [dreg:$0x2];
	[bflag:$0x3] =	sbarrier.arrive $0xFFFF;
	s2 =	simm.s32 @!p0 $0x1C0D  }
0x106: {  	[timem:s3], [sflag:s2] =	dma.local @!p0 [hbm:s0], s1  }
0x107: {  	s0 =	simm.s32 @!p0 $0xD  }
0x108: {  	_ =	swait.ge @!p0 [sflag:s0], s1  }
0x109: {  	s1 =	ssub.s32 @!p0 $0x0, s1;
	[sflag:s0] =	ssyncset.done @!p0 $0x0  }
0x10a: {  	[sflag:s0] =	ssyncadd.s32 @!p0 s1  }
0x10b: {  	[bflag:$0x3] =	sbarrier.arrive $0xFFFF  }
0x10c: {  	_ =	shalt  }

// kernel: sparse-core-data-format-call.1.cloned.1.call-start
scs
called_computation.1_lowered:
.L_overlay_start_0:
0x0: {  	s2 =	sld [smem:$0x3FD9]  }
0x1: {  	s3 =	sld [smem:$0x3FFE];
	_ =	sdelay $0x1  }
0x2: {  	s1 =	srdreg.scid  }
0x3: {  	s0 =	sand.u32 $0x1, s1  }
0x4: {  	s18 =	sshll.u32 s0, $0xA;
	s2 =	sadd.s32 s3, s2  }
0x5: {  	s2 =	sadd.s32 s2, s18  }
0x6: {  	[smem:$0x3FC6] =	sst s2  }
0x7: {  	_ = 	snop  }
0x8: {  	s2 =	sld [smem:$0x3FC8];
	(tm) =	ssettm $0x1  }
0x9: {  	s19 =	sld [smem:$0x3FFB];
	_ =	sdelay $0x3  }
0xa: {  	_ =	strace s19  }
0xb: {  	s3 =	sld [smem:$0x3FFC];
	_ =	sdelay $0x3  }
0xc: {  	_ =	strace s3  }
0xd: {  	s3 =	sld [smem:$0x3FFD];
	_ =	sdelay $0x3  }
0xe: {  	_ =	strace s3  }
0xf: {  	_ =	strace $0x8FFFFFFF  }
0x10: {  	s20 =	sld [smem:$0x3FDB];
	_ =	sdelay $0x1  }
0x11: {  	s4 =	simm.s32 $_scs_section_size  }
0x12: {  	s5 =	simm.s32 $_size__tile_overlayer_lowered;
	s6 =	simm.s32 $_tile_overlayer_lowered  }
0x13: {  	s23 =	simm.s32 $0x1BFF;
	s22 =	sshll.u32 s6, $0x1;
	s3 =	sadd.s32 s4, s20  }
0x14: {  	s7 =	simm.s32 $0x0;
	s21 =	sshll.u32 s5, $0x1;
	s5 =	sadd.s32 s22, s3  }
0x15: {  	[timem:s7], [sflag:s23] =	dma.local [hbm:s5], s21  }
0x16: {  	_ =	swait.ge [sflag:s23], s21  }
0x17: {  	s4 =	ssub.s32 $0x0, s21;
	[sflag:s23] =	ssyncset.done $0x0  }
0x18: {  	[sflag:s23] =	ssyncadd.s32 s4;
	_ =	sdelay $0x1  }
0x19: {  	s24 =	simm.s32 $0x1B8B  }
0x1a: {  	_ =	swait.ge [sflag:s24], $0x1  }
0x1b: {  	[sflag:s24] =	ssyncset.done $0x0  }
0x1c: {  	s26 =	simm.s32 $0x1B8E;
	s25 =	sld [smem:$0x3FFE];
	[sflag:s24] =	ssyncadd.s32 $0xFFFFFFFF  }
0x1d: {  	s27 =	simm.s32 $execute0_lowered;
	[smem:$0x3FD2] =	sst s26  }
0x1e: {  	s5 =	sshll.u32 s27, $0x1;
	_ =	strace $0x80000046;
	[dreg:$0x1] =	wrdreg $0xFFFFFFFF  }
0x1f: {  	s28 =	simm.s32 $_size_execute0_lowered;
	s3 =	sadd.s32 s3, s5;
	[dreg:$0x0] =	wrdreg $0x0  }
0x20: {  	s5 =	sshll.u32 s28, $0x1;
	[dreg:$0x2] =	wrdreg s3  }
0x21: {  	[dreg:$0x3] =	wrdreg s5  }
0x22: {  	[dreg:$0x4] =	wrdreg $0xC0  }
0x23: {  	_ =	task [dreg:s7], $0x5FFFF  }
0x24: {  	[dreg:$0x1] =	wrdreg $0xFFFFFFFF  }
0x25: {  	[dreg:$0x0] =	wrdreg $0x60  }
0x26: {  	[dreg:$0x2] =	wrdreg s2  }
0x27: {  	[dreg:$0x3] =	wrdreg s25  }
0x28: {  	[dreg:$0x4] =	wrdreg $0x9  }
0x29: {  	_ =	task.clear_ibuf [dreg:s7], $0x5FFFF;
	_ =	strace $0x90000046  }
0x2a: {  	s29 =	simm.s32 $0x9;
	_ =	strace $0x80000048  }
0x2b: {  	_ =	swait.ge [sflag:s29], $0x1  }
0x2c: {  	[sflag:s29] =	ssyncadd.s32 $0xFFFFFFFF  }
0x2d: {  	_ =	strace $0x90000048  }
0x2e: {  	_ =	sfence  }
0x2f: {  	s30 =	sld [smem:$0x0];
	_ =	sdelay $0x2  }
0x30: {  	s31 =	sshll.u32 s1, $0xD;
	s1 =	sshrl.u32 s1, $0x2  }
0x31: {  	s3 =	sand.u32 $0x4000, s31;
	s1 =	sadd.s32 s1, s30  }
0x32: {  	s0 =	sor.u32 s3, s0;
	s1 =	sshll.u32 s1, $0x11  }
0x33: {  	s0 =	sor.u32 s1, s0  }
0x34: {  	s0 =	sadd.s32 $0x8F2B, s0  }
0x35: {  	[sflag:s0] =	ssyncadd.remote.s32 $0x1  }
0x36: {  	_ =	sfence.sel $0xFFFF  }
0x37: {  	[dreg:$0x0] =	wrdreg $0xFFFFFFFF;
	(pc) =	sbr.abs _section_cstart, $3  }
0x38: {  	[dreg:$0x1] =	wrdreg $0xFFFFFFFF  }
0x39: {  	_ =	task.clear_ibuf [dreg:s7], $0x2FFFF;
	_ =	strace $0x9FFFFFFF  }
0x3a: {  	(tm) =	ssettm $0x7FFFFFFF  }
0x3b: {  	_ =	shalt  }
tec
execute0_lowered:
.L_overlay_start_1:
0x0: {  	(tag) =	ssettag $0x1  }
0x1: {  	s0 =	srdreg.scid;
	s2 =	rddreg [dreg:$0x0]  }
0x2: {  	s5 =	rddreg [dreg:$0x1];
	s1 =	stileid.u32  }
0x3: {  	s4 =	simm.s32 $0x1;
	s6 =	simm.s32 $0x2;
	s15 =	simm.s32 $0x0  }
0x4: {  	p0 =	por $0x0, $0x0;
	s8 =	simm.s32 $0x80;
	s0 =	sshll.u32 s0, $0x4  }
0x5: {  	s14 =	simm.s32 $0x0;
	s9 =	simm.s32 $0x0;
	s3 =	sand.u32 $0x10, s0  }
.Ltmp0:
0x6: {  	s10 =	simm.s32 $0x0;
	s3 =	sor.u32 s1, s3;
	(pc) =	sbr.rel .LBB1_1-.Ltmp0, $4  }
0x7: {  	s0 =	rddreg [dreg:$0x2];
	_ =	strace $0x80000047;
	s3 =	sshll.u32 s3, $0x7  }
0x8: {  	s12 =	simm.s32 $0x0;
	[sflag:s4] =	ssyncpa.u1 $0x0;
	s7 =	ssub.s32 $0xF4200, s3  }
0x9: {  	s13 =	simm.s32 $0x0;
	[sflag:s6] =	ssyncpa.u1 $0x0;
	s6 =	sshrl.u32 s7, $0xC  }
0xa: {  	s5 =	sadd.s32 $0xE00, s5;
	s11 =	smov.u32 s3;
	s7 =	sadd.s32 $0x2, s6  }
.LBB1_5:
0xb: {  	p1 =	slt.u32 s13, $0x2  }
0xc: {  	s17 =	smov.u32 s15;
	p2 =	sgt.s32 @!p1 s15, $0xF41C0;
	s16 =	sshra.s32 @!p1 s15, $0x1F  }
0xd: {  	p3 =	sgt.s32 @!p1 s14, $0x40;
	s18 =	sshra.s32 @!p1 s14, $0x1F;
	p2 =	por !p2, p1  }
0xe: {  	s15 =	sand.u32 @!p1 s16, s15;
	p3 =	por !p3, p1;
	s16 =	smov.u32 s14  }
0xf: {  	s14 =	sand.u32 @!p1 s18, s14;
	s17 =	simm.s32 @p2 $0xF41C0;
	s16 =	simm.s32 @p3 $0x40  }
0x10: {  	s15 =	ssub.s32 @!p1 s17, s15;
	s14 =	ssub.s32 @!p1 s16, s14  }
0x11: {  	s18 =	smov.u32 s12;
	s16 =	sadd.s32 @!p1 $0xFFF0BE40, s15;
	s17 =	sadd.s32 @!p1 $0xFFFFFFC0, s14  }
0x12: {  	s15 =	ssub.s32 @!p1 $0xF4240, s15;
	p2 =	sgt.s32 @!p1 s16, $0x7F;
	p3 =	sgt.s32 @!p1 s17, $0x3F  }
0x13: {  	s14 =	ssub.s32 @!p1 $0x80, s14;
	p2 =	por !p2, p1;
	p3 =	por !p3, p1  }
0x14: {  	s16 =	sadd.s32 $0x1000, s11;
	s15 =	simm.s32 @!p2 $0x0;
	s14 =	simm.s32 @!p3 $0x0  }
0x15: {  	p2 =	sgt.s32 s16, $0xF423F;
	s14 =	smul.u32 @!p1 s14, s15;
	s15 =	sadd.s32 $0x40, s12  }
0x16: {  	s18 =	smov.u32 @p2 s15  }
0x17: {  	s16 =	smov.u32 @p2 s3;
	p2 =	sgt.s32 s18, $0x3F  }
0x18: {  	s18 =	simm.s32 @p2 $0x0;
	p2 =	sne.s32 s13, s7  }
.Ltmp1:
0x19: {  	p0 =	por !p0, !p0;
	s17 =	simm.s32 @!p1 $0x2;
	(pc) =	sbr.rel @!p2 .LBB1_6-.Ltmp1, $4  }
0x1a: {  	s15 =	smov.u32 s9;
	s9 =	smov.u32 s11;
	s14 =	sand.u32 @!p1 $0x3FFFFFFF, s14  }
0x1b: {  	s11 =	smov.u32 s16;
	_ =	swait.ge @!p1 [sflag:s17], s14;
	s19 =	ssub.s32 @!p1 $0x0, s14  }
0x1c: {  	s14 =	smov.u32 s10;
	s13 =	sadd.s32 $0x1, s13;
	[sflag:s17] =	ssyncset.done @!p1 $0x0  }
0x1d: {  	s10 =	smov.u32 s12;
	s12 =	smov.u32 s18;
	[sflag:s17] =	ssyncadd.s32 @!p1 s19  }
.LBB1_1:
0x1e: {  	p1 =	sgt.u32 s13, s6  }
0x1f: {  	s16 =	sshrl.u32 @!p1 s12, $0x3  }
0x20: {  	s17 =	sshll.u32 @!p1 s11, $0x3;
	s16 =	smul.u32 @!p1 $0x7A1400, s16  }
0x21: {  	s18 =	sshll.u32 @!p1 s12, $0x7;
	s17 =	sand.u32 @!p1 $0xFFFFFC00, s17  }
0x22: {  	s16 =	sadd.s32 @!p1 s16, s17;
	s17 =	sand.u32 @!p1 $0x380, s18  }
0x23: {  	s18 =	sand.u32 @!p1 $0x7F, s11;
	s16 =	sor.u32 @!p1 s17, s16  }
0x24: {  	s17 =	sor.u32 @!p1 s18, s16  }
0x25: {  	s18 =	smulhi.u32 @!p1 $0x218D6287, s17;
	_ =	sdelay $0x1  }
0x26: {  	s16 =	smulhi.u32 @!p1 $0x218D6287, s16;
	s18 =	sshrl.u32 @!p1 s18, $0x11  }
0x27: {  	s18 =	smul.u32 @!p1 $0xF4280, s18  }
0x28: {  	s19 =	sxor.u32 @!p1 $0xFFFFFFFF, s13;
	s16 =	sshrl.u32 @!p1 s16, $0x11  }
0x29: {  	s19 =	sshll.u32 @!p1 s19, $0xD;
	s16 =	sand.u32 @!p1 $0x3F, s16;
	s17 =	ssub.s32 @!p1 s17, s18  }
0x2a: {  	s16 =	smul.u32 @!p1 $0x1E850, s16;
	s18 =	sshrl.u32 @!p1 s17, $0x3;
	s17 =	sand.u32 @!p1 $0x7, s17  }
0x2b: {  	s19 =	sand.u32 @!p1 $0x2000, s19;
	s18 =	sadd.s32 @!p1 s2, s18;
	s17 =	sshll.u32 @!p1 s17, $0x12  }
0x2c: {  	s16 =	sadd.s32 @!p1 s16, s18;
	s17 =	sor.u32 @!p1 $0x400, s17;
	s18 =	simm.s32 @!p1 $0x7A1400  }
0x2d: {  	[tilespmem:s19], [sflag:$0x1] =	stream.strided.gather @!p1 [hbm4b:s16+s17], $0x2000, s18, s17, $0x38;
	[tilespmem:$0x8100] =	vst v63  }
0x2e: {  	p1 =	seq.s32 s13, $0x0  }
0x2f: {  	p2 =	sge.u32 @!p1 s13, s7  }
0x30: {  	p1 =	por p1, p2  }
.Ltmp2:
0x31: {  	_ = 	snop;
	(pc) =	sbr.rel @p1 .LBB1_5-.Ltmp2, $1  }
0x32: {  	_ =	sdelay $0x3  }
0x33: {  	s16 =	simm.s32 $0x1  }
0x34: {  	_ =	swait.ge [sflag:s4], $0x2000;
	s16 =	simm.s32 @!p0 $0x0  }
0x35: {  	[sflag:s4] =	ssyncset.done $0x0;
	s17 =	sshll.u32 s16, $0xD  }
0x36: {  	[sflag:s4] =	ssyncadd.s32 $0xFFFFE000;
	s17 =	sor.u32 $0x40, s17  }
0x37: {  	s16 =	smul.u32 $0x8200, s16;
	v0 =	vld [tilespmem:s17+$0x30]  }
0x38: {  	v1 =	vld [tilespmem:s17+$0xFFFFFFD0]  }
0x39: {  	s16 =	sshrl.u32 s16, $0x2;
	v5 =	vld [tilespmem:s17+$0xFFFFFFE0]  }
0x3a: {  	v6 =	vld [tilespmem:s17+$0xFFFFFFF0];
	s19 =	sor.u32 $0x4000, s16  }
0x3b: {  	s31 =	sand.u32 $0x1, s13;
	v4 =	vld [tilespmem:s17+$0x0];
	s18 =	sadd.s32 $0x0, s19  }
0x3c: {  	v3 =	vld [tilespmem:s17+$0x10];
	s16 =	smul.u32 $0x8200, s31;
	[tilespmem:s18+$0x1C70 ss:$0x41] =	vst.msk $0xffff, v0  }
0x3d: {  	v2 =	vld [tilespmem:s17+$0x20];
	[tilespmem:s18+$0x410 ss:$0x41] =	vst.msk $0xffff, v1  }
0x3e: {  	s16 =	sshrl.u32 s16, $0x2;
	v1 =	vld [tilespmem:s17+$0xFFFFFFC0];
	[tilespmem:s18+$0x820 ss:$0x41] =	vst.msk $0xffff, v5;
	s17 =	sadd.s32 $0x80, s17  }
0x3f: {  	s20 =	simm.s32 $0x4;
	s21 =	simm.s32 $0x8;
	s16 =	sor.u32 $0x4000, s16;
	[tilespmem:s18+$0xC30 ss:$0x41] =	vst.msk $0xffff, v6;
	v0 =	vld [tilespmem:s17+$0x30]  }
.LBB1_3:
0x40: {  	p1 =	sne.s32 s21, $0xFC;
	v5 =	vld [tilespmem:s17+$0xFFFFFFD0];
	[tilespmem:s18+$0x1040 ss:$0x41] =	vst.msk $0xffff, v4  }
0x41: {  	v6 =	vld [tilespmem:s17+$0xFFFFFFE0];
	[tilespmem:s18+$0x1450 ss:$0x41] =	vst.msk $0xffff, v3  }
0x42: {  	s22 =	sshra.s32 s20, $0x2;
	s20 =	smov.u32 s21;
	v7 =	vld [tilespmem:s17+$0xFFFFFFF0];
	[tilespmem:s18+$0x1860 ss:$0x41] =	vst.msk $0xffff, v2  }
.Ltmp3:
0x43: {  	v4 =	vld [tilespmem:s17+$0x0];
	[tilespmem:s18+$0x0 ss:$0x41] =	vst.msk $0xffff, v1;
	s18 =	sadd.s32 s22, s19;
	(pc) =	sbr.rel @p1 .LBB1_3-.Ltmp3, $4  }
0x44: {  	v3 =	vld [tilespmem:s17+$0x10];
	[tilespmem:s18+$0x1C70 ss:$0x41] =	vst.msk $0xffff, v0  }
0x45: {  	[tilespmem:s18+$0x410 ss:$0x41] =	vst.msk $0xffff, v5;
	v2 =	vld [tilespmem:s17+$0x20]  }
0x46: {  	v1 =	vld [tilespmem:s17+$0xFFFFFFC0];
	[tilespmem:s18+$0x820 ss:$0x41] =	vst.msk $0xffff, v6;
	s17 =	sadd.s32 $0x80, s17  }
0x47: {  	s21 =	sadd.s32 $0x4, s21;
	v0 =	vld [tilespmem:s17+$0x30];
	[tilespmem:s18+$0xC30 ss:$0x41] =	vst.msk $0xffff, v7  }
0x48: {  	s21 =	sshll.u32 s9, $0x7;
	s22 =	sshll.u32 s10, $0x3;
	s20 =	sshra.s32 s20, $0x2  }
0x49: {  	p1 =	sgt.s32 s9, $0xF41C0;
	s30 =	sshra.s32 s9, $0x1F;
	s25 =	sshra.s32 s10, $0x1F  }
0x4a: {  	v5 =	vld [tilespmem:s17+$0xFFFFFFD0];
	s28 =	sshrl.u32 s10, $0x3;
	s23 =	sand.u32 $0xFFFFFC00, s21;
	s22 =	sand.u32 $0xFFFFFC00, s22  }
0x4b: {  	[tilespmem:s18+$0x1040 ss:$0x41] =	vst.msk $0xffff, v4;
	v58 =	vld [tilespmem:s17+$0xFFFFFFE0];
	s21 =	sand.u32 $0x380, s21;
	s19 =	sadd.s32 s20, s19;
	s22 =	sadd.s32 s22, s23  }
0x4c: {  	v59 =	vld [tilespmem:s17+$0xFFFFFFF0];
	[tilespmem:s18+$0x1450 ss:$0x41] =	vst.msk $0xffff, v3;
	s29 =	sor.u32 s21, s22;
	s21 =	smov.u32 s9;
	s22 =	sand.u32 s30, s9  }
0x4d: {  	v60 =	vld [tilespmem:s17+$0x0];
	[tilespmem:s18+$0x1860 ss:$0x41] =	vst.msk $0xffff, v2;
	s30 =	sand.u32 $0x7, s10;
	s20 =	sshrl.u32 s29, $0x7;
	s21 =	simm.s32 @!p1 $0xF41C0  }
0x4e: {  	v61 =	vld [tilespmem:s17+$0x10];
	[tilespmem:s18+$0x0 ss:$0x41] =	vst.msk $0xffff, v1;
	p1 =	sgt.s32 s10, $0x40;
	s24 =	ssub.s32 s21, s22;
	s21 =	smov.u32 s10  }
0x4f: {  	v62 =	vld [tilespmem:s17+$0x20];
	[tilespmem:s19+$0x1C70 ss:$0x41] =	vst.msk $0xffff, v0;
	s31 =	smulhi.u32 $0x218DEF5, s20;
	s22 =	sand.u32 s25, s10;
	s21 =	simm.s32 @!p1 $0x40  }
0x50: {  	v63 =	vld [tilespmem:s17+$0xFFFFFFC0];
	[tilespmem:s19+$0x410 ss:$0x41] =	vst.msk $0xffff, v5;
	s26 =	sadd.s32 $0xFFF0BE40, s24;
	s17 =	ssub.s32 $0xF4240, s24;
	s21 =	ssub.s32 s21, s22  }
0x51: {  	[tilespmem:s19+$0x820 ss:$0x41] =	vst.msk $0xffff, v58;
	s23 =	sshrl.u32 s31, $0xD;
	p1 =	sgt.s32 s26, $0x7F;
	s27 =	sadd.s32 $0xFFFFFFC0, s21  }
0x52: {  	[tilespmem:s19+$0xC30 ss:$0x41] =	vst.msk $0xffff, v59;
	s23 =	smul.u32 $0xF4240, s23;
	s18 =	ssub.s32 $0x80, s21;
	p2 =	sgt.s32 s27, $0x3F  }
.Ltmp4:
0x53: {  	[tilespmem:s19+$0x1040 ss:$0x41] =	vst.msk $0xffff, v60;
	s17 =	simm.s32 @p1 $0x0;
	s18 =	simm.s32 @p2 $0x0;
	(pc) =	sbr.rel .LBB1_5-.Ltmp4, $4  }
0x54: {  	s29 =	sand.u32 $0xF, s28;
	[tilespmem:s19+$0x1450 ss:$0x41] =	vst.msk $0xffff, v61;
	s20 =	ssub.s32 s20, s23;
	s17 =	smul.u32 s18, s17  }
0x55: {  	[tilespmem:s19+$0x1860 ss:$0x41] =	vst.msk $0xffff, v62;
	s21 =	sshll.u32 s30, $0x12;
	s20 =	sshll.u32 s20, $0x4;
	s18 =	sadd.s32 s5, s29  }
0x56: {  	[tilespmem:s19+$0x0 ss:$0x41] =	vst.msk $0xffff, v63;
	s31 =	sor.u32 $0x40, s21;
	s18 =	sadd.s32 s20, s18;
	s17 =	sand.u32 $0x3FFFFFFF, s17  }
0x57: {  	[hbm4b:s18+s31] =	stream.strided.scatter [tilespmem:s16], [sflag:$0x2], s17, s8, s31, $0x18;
	[tilespmem:$0x8100] =	vst v63  }
.LBB1_6:
0x58: {  	_ =	sfence.sel $0x180000  }
0x59: {  	s2 =	simm.s32 $0x1;
	[bflag:$0x0] =	sbarrier.arrive $0xFFFF  }
0x5a: {  	s31 =	simm.s32 $0x2;
	[sflag:s2] =	ssyncpa.u1 $0x1  }
0x5b: {  	[sflag:s31] =	ssyncpa.u1 $0x1  }
0x5c: {  	p0 =	sne.s32 s1, $0x0;
	_ =	strace $0x90000047  }
0x5d: {  	s0 =	sadd.s32 @!p0 $0x100000, s0;
	[bflag:$0x2] =	sbarrier.arrive $0xFFFF  }
0x5e: {  	[sflag:s0] =	ssyncadd.tile.s32 @!p0 $0x1;
	_ =	shalt  }
.Lfunc_end1:
_tile_overlayer_lowered:
.L_overlay_start_2:
0x5f: {  	(tag) =	ssettag $0x2  }
0x60: {  	s0 =	rddreg [dreg:$0x0];
	s2 =	stileid.u32  }
0x61: {  	s1 =	rddreg [dreg:$0x1];
	p0 =	sne.s32 s2, $0x0  }
0x62: {  	s3 =	rddreg [dreg:$0x2];
	[bflag:$0x3] =	sbarrier.arrive $0xFFFF;
	s2 =	simm.s32 @!p0 $0x1C01  }
0x63: {  	[timem:s3], [sflag:s2] =	dma.local @!p0 [hbm:s0], s1  }
0x64: {  	s0 =	simm.s32 @!p0 $0x1  }
0x65: {  	_ =	swait.ge @!p0 [sflag:s0], s1  }
0x66: {  	s1 =	ssub.s32 @!p0 $0x0, s1;
	[sflag:s0] =	ssyncset.done @!p0 $0x0  }
0x67: {  	[sflag:s0] =	ssyncadd.s32 @!p0 s1  }
0x68: {  	[bflag:$0x3] =	sbarrier.arrive $0xFFFF  }
0x69: {  	_ =	shalt  }

// kernel: sparse-core-data-format-call.cloned.1.call-start
scs
called_computation_lowered:
.L_overlay_start_0:
0x0: {  	s2 =	sld [smem:$0x3FD9]  }
0x1: {  	s3 =	sld [smem:$0x3FFE];
	_ =	sdelay $0x1  }
0x2: {  	s1 =	srdreg.scid  }
0x3: {  	s0 =	sand.u32 $0x1, s1  }
0x4: {  	s18 =	sshll.u32 s0, $0xA;
	s2 =	sadd.s32 s3, s2  }
0x5: {  	s2 =	sadd.s32 s2, s18  }
0x6: {  	[smem:$0x3FC6] =	sst s2  }
0x7: {  	_ = 	snop  }
0x8: {  	s2 =	sld [smem:$0x3FD0];
	(tm) =	ssettm $0x1  }
0x9: {  	s19 =	sld [smem:$0x3FFB];
	_ =	sdelay $0x3  }
0xa: {  	_ =	strace s19  }
0xb: {  	s3 =	sld [smem:$0x3FFC];
	_ =	sdelay $0x3  }
0xc: {  	_ =	strace s3  }
0xd: {  	s3 =	sld [smem:$0x3FFD];
	_ =	sdelay $0x3  }
0xe: {  	_ =	strace s3  }
0xf: {  	_ =	strace $0x8FFFFFFF  }
0x10: {  	s20 =	sld [smem:$0x3FDB];
	_ =	sdelay $0x1  }
0x11: {  	s4 =	simm.s32 $_scs_section_size  }
0x12: {  	s5 =	simm.s32 $_size__tile_overlayer_lowered;
	s6 =	simm.s32 $_tile_overlayer_lowered  }
0x13: {  	s23 =	simm.s32 $0x1BFF;
	s22 =	sshll.u32 s6, $0x1;
	s3 =	sadd.s32 s4, s20  }
0x14: {  	s7 =	simm.s32 $0x0;
	s21 =	sshll.u32 s5, $0x1;
	s5 =	sadd.s32 s22, s3  }
0x15: {  	[timem:s7], [sflag:s23] =	dma.local [hbm:s5], s21  }
0x16: {  	_ =	swait.ge [sflag:s23], s21  }
0x17: {  	s4 =	ssub.s32 $0x0, s21;
	[sflag:s23] =	ssyncset.done $0x0  }
0x18: {  	[sflag:s23] =	ssyncadd.s32 s4;
	_ =	sdelay $0x1  }
0x19: {  	s24 =	simm.s32 $0x1B8B  }
0x1a: {  	_ =	swait.ge [sflag:s24], $0x1  }
0x1b: {  	[sflag:s24] =	ssyncset.done $0x0  }
0x1c: {  	s26 =	simm.s32 $0x1B8E;
	s25 =	sld [smem:$0x3FFE];
	[sflag:s24] =	ssyncadd.s32 $0xFFFFFFFF  }
0x1d: {  	s27 =	simm.s32 $execute0_lowered;
	[smem:$0x3FD2] =	sst s26  }
0x1e: {  	s5 =	sshll.u32 s27, $0x1;
	_ =	strace $0x8000004C;
	[dreg:$0x1] =	wrdreg $0xFFFFFFFF  }
0x1f: {  	s28 =	simm.s32 $_size_execute0_lowered;
	s3 =	sadd.s32 s3, s5;
	[dreg:$0x0] =	wrdreg $0x0  }
0x20: {  	s5 =	sshll.u32 s28, $0x1;
	[dreg:$0x2] =	wrdreg s3  }
0x21: {  	[dreg:$0x3] =	wrdreg s5  }
0x22: {  	[dreg:$0x4] =	wrdreg $0xC0  }
0x23: {  	_ =	task [dreg:s7], $0x5FFFF  }
0x24: {  	[dreg:$0x1] =	wrdreg $0xFFFFFFFF  }
0x25: {  	[dreg:$0x0] =	wrdreg $0x60  }
0x26: {  	[dreg:$0x2] =	wrdreg s25  }
0x27: {  	[dreg:$0x3] =	wrdreg s2  }
0x28: {  	[dreg:$0x4] =	wrdreg $0x9  }
0x29: {  	_ =	task.clear_ibuf [dreg:s7], $0x5FFFF;
	_ =	strace $0x9000004C  }
0x2a: {  	s29 =	simm.s32 $0x9;
	_ =	strace $0x8000004E  }
0x2b: {  	_ =	swait.ge [sflag:s29], $0x1  }
0x2c: {  	[sflag:s29] =	ssyncadd.s32 $0xFFFFFFFF  }
0x2d: {  	_ =	strace $0x9000004E  }
0x2e: {  	_ =	sfence  }
0x2f: {  	s30 =	sld [smem:$0x0];
	_ =	sdelay $0x2  }
0x30: {  	s31 =	sshll.u32 s1, $0xD;
	s1 =	sshrl.u32 s1, $0x2  }
0x31: {  	s3 =	sand.u32 $0x4000, s31;
	s1 =	sadd.s32 s1, s30  }
0x32: {  	s0 =	sor.u32 s3, s0;
	s1 =	sshll.u32 s1, $0x11  }
0x33: {  	s0 =	sor.u32 s1, s0  }
0x34: {  	s0 =	sadd.s32 $0x8F2B, s0  }
0x35: {  	[sflag:s0] =	ssyncadd.remote.s32 $0x1  }
0x36: {  	_ =	sfence.sel $0xFFFF  }
0x37: {  	[dreg:$0x0] =	wrdreg $0xFFFFFFFF;
	(pc) =	sbr.abs _section_cstart, $3  }
0x38: {  	[dreg:$0x1] =	wrdreg $0xFFFFFFFF  }
0x39: {  	_ =	task.clear_ibuf [dreg:s7], $0x2FFFF;
	_ =	strace $0x9FFFFFFF  }
0x3a: {  	(tm) =	ssettm $0x7FFFFFFF  }
0x3b: {  	_ =	shalt  }
tec
execute0_lowered:
.L_overlay_start_1:
0x0: {  	(tag) =	ssettag $0x1  }
0x1: {  	s0 =	srdreg.scid  }
0x2: {  	s1 =	sshll.u32 s0, $0x4  }
0x3: {  	s0 =	stileid.u32;
	s1 =	sand.u32 $0x10, s1  }
0x4: {  	s1 =	sor.u32 s0, s1  }
0x5: {  	s6 =	rddreg [dreg:$0x0];
	s4 =	simm.s32 $0x1;
	s2 =	sshll.u32 s1, $0x7  }
0x6: {  	s7 =	simm.s32 $0x2;
	s12 =	simm.s32 $0x0;
	s1 =	ssub.s32 $0x4000, s2  }
0x7: {  	s8 =	simm.s32 $0x20000;
	s13 =	simm.s32 $0x0;
	s3 =	sand.u32 $0xF80, s1  }
0x8: {  	s9 =	simm.s32 $0x0;
	s5 =	sshrl.u32 s1, $0xC;
	p0 =	sne.s32 s3, $0x0  }
.Ltmp0:
0x9: {  	s1 =	rddreg [dreg:$0x2];
	s4 =	simm.s32 @!p0 $0x0;
	(pc) =	sbr.rel .LBB1_1-.Ltmp0, $4  }
0xa: {  	s11 =	simm.s32 $0x0;
	s3 =	rddreg [dreg:$0x1];
	s5 =	sadd.s32 s4, s5  }
0xb: {  	_ =	strace $0x8000004D;
	s4 =	simm.s32 $0x1;
	s5 =	smul.u32 $0x32, s5  }
0xc: {  	s6 =	sadd.s32 $0xE00, s6;
	s10 =	smov.u32 s2;
	[sflag:s4] =	ssyncpa.u1 $0x0  }
0xd: {  	p0 =	por $0x0, $0x0;
	[sflag:s7] =	ssyncpa.u1 $0x0;
	s7 =	sor.u32 $0x1, s5  }
.LBB1_4:
0xe: {  	s16 =	sshll.u32 s13, $0x3;
	s17 =	sand.u32 $0x78, s13  }
0xf: {  	s30 =	sand.u32 $0x1F800, s13;
	s12 =	sshll.u32 s12, $0x11;
	s16 =	sand.u32 $0x3C00, s16  }
0x10: {  	[tilespmem:s15+$0x810 ss:$0x81] =	vst.msk $0xffff, v2;
	s31 =	sand.u32 $0x7, s13;
	s16 =	sor.u32 s17, s16;
	s17 =	sadd.s32 s3, s30  }
0x11: {  	[tilespmem:s15+$0x1020 ss:$0x81] =	vst.msk $0xffff, v0;
	s13 =	sshll.u32 s31, $0x12;
	s12 =	sadd.s32 s12, s17;
	s16 =	sshrl.u32 s16, $0x3  }
0x12: {  	[tilespmem:s15+$0x0 ss:$0x81] =	vst.msk $0xffff, v1;
	s13 =	sor.u32 $0x400, s13;
	s12 =	sadd.s32 s16, s12  }
0x13: {  	[hbm4b:s12+s13] =	stream.strided.scatter [tilespmem:s14], [sflag:$0x2], $0x2000, s8, s13, $0x20;
	[tilespmem:$0x8080] =	vst v63  }
.LBB1_5:
0x14: {  	s14 =	sadd.s32 $0x1, s9  }
0x15: {  	s12 =	sadd.s32 $0x1000, s10;
	s16 =	smov.u32 s10;
	p2 =	sgt.s32 s14, $0x31  }
0x16: {  	s16 =	smov.u32 @p2 s12  }
0x17: {  	s14 =	simm.s32 @p2 $0x0;
	p2 =	sgt.s32 s16, $0x3FFF  }
0x18: {  	s16 =	smov.u32 @p2 s2;
	p2 =	sne.s32 s11, s7  }
.Ltmp1:
0x19: {  	p1 =	slt.u32 s11, $0x2;
	(pc) =	sbr.rel @!p2 .LBB1_6-.Ltmp1, $4  }
0x1a: {  	s15 =	simm.s32 @!p1 $0x2  }
0x1b: {  	s13 =	smov.u32 s10;
	p0 =	por !p0, !p0;
	_ =	swait.ge @!p1 [sflag:s15], $0x2000  }
0x1c: {  	s12 =	smov.u32 s9;
	[sflag:s15] =	ssyncset.done @!p1 $0x0;
	s9 =	smov.u32 s14  }
0x1d: {  	s11 =	sadd.s32 $0x1, s11;
	[sflag:s15] =	ssyncadd.s32 @!p1 $0xFFFFE000;
	s10 =	smov.u32 s16  }
.LBB1_1:
0x1e: {  	p1 =	sge.u32 s11, s5  }
0x1f: {  	s14 =	sand.u32 @!p1 $0x1FFFFFF, s9  }
0x20: {  	s15 =	smulhi.u32 @!p1 $0x4924925, s14;
	_ =	sdelay $0x1  }
0x21: {  	s15 =	smul.u32 @!p1 $0x38, s15  }
0x22: {  	s16 =	sxor.u32 @!p1 $0xFFFFFFFF, s11;
	s17 =	smul.u32 @!p1 $0x380, s10  }
0x23: {  	s31 =	sadd.s32 $0xFFFFFFFF, s11;
	s16 =	sshll.u32 @!p1 s16, $0xD;
	s14 =	ssub.s32 @!p1 s14, s15  }
0x24: {  	s15 =	sand.u32 @!p1 $0x2000, s16;
	s16 =	sadd.s32 @!p1 s6, s17;
	s14 =	sshll.u32 @!p1 s14, $0x4  }
0x25: {  	s17 =	simm.s32 @!p1 $0x1C00;
	s14 =	sadd.s32 @!p1 s14, s16;
	s16 =	simm.s32 @!p1 $0x40  }
0x26: {  	[tilespmem:s15], [sflag:$0x1] =	stream.strided.gather @!p1 [hbm4b:s14+s16], $0x2000, s17, s16, $0x38;
	[tilespmem:$0x8080] =	vst v63  }
0x27: {  	p1 =	sge.u32 s31, s5  }
.Ltmp2:
0x28: {  	_ = 	snop;
	(pc) =	sbr.rel @p1 .LBB1_5-.Ltmp2, $1  }
0x29: {  	_ =	sdelay $0x3  }
0x2a: {  	s14 =	simm.s32 $0x1  }
0x2b: {  	_ =	swait.ge [sflag:s4], $0x2000;
	s14 =	simm.s32 @!p0 $0x0  }
0x2c: {  	[sflag:s4] =	ssyncset.done $0x0;
	s15 =	sshll.u32 s14, $0xD  }
0x2d: {  	[sflag:s4] =	ssyncadd.s32 $0xFFFFE000;
	s18 =	sor.u32 $0x20, s15  }
0x2e: {  	s14 =	smul.u32 $0x8100, s14;
	v3 =	vld [tilespmem:s18+$0x10]  }
0x2f: {  	s30 =	sand.u32 $0x1, s11;
	v2 =	vld [tilespmem:s18+$0xFFFFFFF0]  }
0x30: {  	s15 =	smul.u32 $0x8100, s30;
	s14 =	sshrl.u32 s14, $0x2;
	v0 =	vld [tilespmem:s18+$0x0]  }
0x31: {  	v1 =	vld [tilespmem:s18+$0xFFFFFFE0];
	s16 =	sor.u32 $0x4000, s14  }
0x32: {  	s31 =	sshrl.u32 s15, $0x2;
	s15 =	sadd.s32 $0x0, s16  }
0x33: {  	s17 =	simm.s32 $0x4;
	s18 =	sadd.s32 $0x40, s18;
	s14 =	sor.u32 $0x4000, s31;
	[tilespmem:s15+$0x1830 ss:$0x81] =	vst.msk $0xffff, v3  }
.LBB1_3:
0x34: {  	v3 =	vld [tilespmem:s18+$0x10];
	p1 =	sne.s32 s17, $0x1FC;
	[tilespmem:s15+$0x810 ss:$0x81] =	vst.msk $0xffff, v2;
	s19 =	smov.u32 s17;
	s17 =	sadd.s32 $0x4, s17  }
.Ltmp3:
0x35: {  	v2 =	vld [tilespmem:s18+$0xFFFFFFF0];
	[tilespmem:s15+$0x1020 ss:$0x81] =	vst.msk $0xffff, v0;
	(pc) =	sbr.rel @p1 .LBB1_3-.Ltmp3, $4  }
0x36: {  	v0 =	vld [tilespmem:s18+$0x0];
	[tilespmem:s15+$0x0 ss:$0x81] =	vst.msk $0xffff, v1  }
0x37: {  	s15 =	sshra.s32 s19, $0x2;
	v1 =	vld [tilespmem:s18+$0xFFFFFFE0]  }
0x38: {  	s15 =	sadd.s32 s15, s16  }
0x39: {  	s18 =	sadd.s32 $0x40, s18;
	[tilespmem:s15+$0x1830 ss:$0x81] =	vst.msk $0xffff, v3  }
.Ltmp4:
0x3a: {  	_ = 	snop;
	(pc) =	sbr.rel .LBB1_4-.Ltmp4, $1  }
0x3b: {  	_ =	sdelay $0x3  }
.LBB1_6:
0x3c: {  	_ =	sfence.sel $0x180000  }
0x3d: {  	s2 =	simm.s32 $0x1;
	[bflag:$0x0] =	sbarrier.arrive $0xFFFF  }
0x3e: {  	s31 =	simm.s32 $0x2;
	[sflag:s2] =	ssyncpa.u1 $0x1  }
0x3f: {  	[sflag:s31] =	ssyncpa.u1 $0x1  }
0x40: {  	p0 =	sne.s32 s0, $0x0;
	_ =	strace $0x9000004D  }
0x41: {  	s0 =	sadd.s32 @!p0 $0x100000, s1;
	[bflag:$0x2] =	sbarrier.arrive $0xFFFF  }
0x42: {  	[sflag:s0] =	ssyncadd.tile.s32 @!p0 $0x1;
	_ =	shalt  }
.Lfunc_end1:
_tile_overlayer_lowered:
.L_overlay_start_2:
0x43: {  	(tag) =	ssettag $0x2  }
0x44: {  	s0 =	rddreg [dreg:$0x0];
	s2 =	stileid.u32  }
0x45: {  	s1 =	rddreg [dreg:$0x1];
	p0 =	sne.s32 s2, $0x0  }
0x46: {  	s3 =	rddreg [dreg:$0x2];
	[bflag:$0x3] =	sbarrier.arrive $0xFFFF;
	s2 =	simm.s32 @!p0 $0x1C01  }
0x47: {  	[timem:s3], [sflag:s2] =	dma.local @!p0 [hbm:s0], s1  }
0x48: {  	s0 =	simm.s32 @!p0 $0x1  }
0x49: {  	_ =	swait.ge @!p0 [sflag:s0], s1  }
0x4a: {  	s1 =	ssub.s32 @!p0 $0x0, s1;
	[sflag:s0] =	ssyncset.done @!p0 $0x0  }
0x4b: {  	[sflag:s0] =	ssyncadd.s32 @!p0 s1  }
0x4c: {  	[bflag:$0x3] =	sbarrier.arrive $0xFFFF  }
0x4d: {  	_ =	shalt  }

</sc_bundles>
